<compile_context>
chip_gen: v7x
topology: tpu7x:2x2x1
jax: 0.10.2.dev20260603
libtpu: 0.0.44.dev20260713+nightly
codegen_flags: <defaults>
</compile_context>

<pallas_src>
import jax
import jax.numpy as jnp
from jax import lax
from jax.experimental import pallas as pl
from jax.experimental.pallas import tpu as pltpu
from jax.experimental.pallas import tpu_sc as plsc

DIM = 64
NC, NS = 2, 16
NW = NC * NS
CH = 128
R = 10
S = 4
IDX0 = 32


def _gather_body(idx_hbm, table_hbm, out_hbm, idx_v, rows_v, gs, os_, isem):
    wid = lax.axis_index("s") * NC + lax.axis_index("c")
    n_ch = idx_hbm.shape[1]
    base = wid * (n_ch * CH)

    pltpu.sync_copy(idx_hbm.at[wid, pl.ds(0, IDX0)], idx_v.at[pl.ds(0, IDX0)])
    pltpu.async_copy(
        idx_hbm.at[wid, pl.ds(IDX0, n_ch - IDX0)],
        idx_v.at[pl.ds(IDX0, n_ch - IDX0)],
        isem,
    )
    for c in range(R):
        pltpu.async_copy(table_hbm.at[idx_v.at[c]], rows_v.at[c], gs)

    dummy = out_hbm.at[pl.ds(0, CH)]

    def outer(p, carry):
        @pl.when(p == IDX0 // R - 1)
        def _wait_idx():
            pltpu.make_async_copy(
                idx_hbm.at[wid, pl.ds(IDX0, n_ch - IDX0)],
                idx_v.at[pl.ds(IDX0, n_ch - IDX0)],
                isem,
            ).wait()

        for jj in range(R):
            j = p * R + jj
            g = j + R - S
            sf = (jj - S) % R

            pltpu.make_async_copy(dummy, rows_v.at[jj], gs).wait()
            pltpu.async_copy(
                rows_v.at[jj], out_hbm.at[pl.ds(base + j * CH, CH)], os_
            )

            @pl.when(jnp.logical_and(j >= S, g < n_ch))
            def _refill():
                pltpu.make_async_copy(dummy, rows_v.at[sf], os_).wait()
                pltpu.async_copy(table_hbm.at[idx_v.at[g]], rows_v.at[sf], gs)
        return carry

    lax.fori_loop(0, n_ch // R, outer, 0)
    for s in range(R):
        pltpu.make_async_copy(dummy, rows_v.at[s], os_).wait()


def kernel(words, W_w, W_c):
    B = words.shape[0] * words.shape[1]
    n_ch = B // (NW * CH)
    idx = words.reshape(NW, n_ch, CH)
    out = pl.kernel(
        _gather_body,
        out_type=jax.ShapeDtypeStruct((B, DIM), jnp.float32),
        mesh=plsc.VectorSubcoreMesh(core_axis_name="c", subcore_axis_name="s"),
        scratch_types=[
            pltpu.VMEM((n_ch, CH), jnp.int32),
            pltpu.VMEM((R, CH, DIM), jnp.float32),
            pltpu.SemaphoreType.DMA,
            pltpu.SemaphoreType.DMA,
            pltpu.SemaphoreType.DMA,
        ],
        compiler_params=pltpu.CompilerParams(
            use_tc_tiling_on_sc=False, disable_bounds_checks=True
        ),
    )(idx, W_w)
    return out.reshape(words.shape[0], words.shape[1], DIM)

# --- scband reference (transcript-rebuilt; emitter-appended) ---
"""Pipeline reference for scband-skip-gram-module-58961311039635 (READ-ONLY COPY).

The authoritative reference and input builder live on the scoring server;
editing this copy changes nothing except your own understanding.
"""

import jax, jax.numpy as jnp
import numpy as np

VOCAB = 1000000
DIM = 64
BATCH = 16384
HIST = 50

def setup_inputs(seed: int = 0) -> dict:
    key = jax.random.key(seed)
    k1, k2, k3 = jax.random.split(key, 3)
    words = jax.random.randint(k1, (BATCH, HIST), 0, VOCAB, dtype=jnp.int64 if jax.config.jax_enable_x64 else jnp.int32).astype(jnp.int32)
    W_w = jax.random.normal(k2, (VOCAB, DIM), dtype=jnp.float32)
    W_c = jax.random.normal(k3, (VOCAB, DIM), dtype=jnp.float32)
    return {"words": words, "W_w": W_w, "W_c": W_c}

def reference(words, W_w, W_c):
    # SkipGramModule.forward_w: w_embeds = self.w_embedding(words)
    # nn.Embedding lookup == row gather from the weight table.
    w_embeds = jnp.take(W_w, words, axis=0)
    return w_embeds

if __name__ == "__main__":
    import jax
    _d = setup_inputs()
    print(jax.jit(kernel)(*tuple(_d.values())))

</pallas_src>

<mosaic_0001>
#map = affine_map<(d0, d1) -> (0, 0, 0)>
#map1 = affine_map<(d0, d1) -> (0, 0)>
module attributes {stable_mosaic.version = 14 : i64} {
  func.func @_gather_body(%arg0: i32, %arg1: i32, %arg2: memref<32x200x128xi32, #tpu.memory_space<hbm>>, %arg3: memref<1000000x64xf32, #tpu.memory_space<hbm>>, %arg4: memref<819200x64xf32, #tpu.memory_space<hbm>>, %arg5: memref<200x128xi32, #tpu.memory_space<vmem>>, %arg6: memref<10x128x64xf32, #tpu.memory_space<vmem>>, %arg7: memref<!tpu.dma_semaphore, #tpu.memory_space<semaphore_mem>>, %arg8: memref<!tpu.dma_semaphore, #tpu.memory_space<semaphore_mem>>, %arg9: memref<!tpu.dma_semaphore, #tpu.memory_space<semaphore_mem>>) attributes {dimension_semantics = [#tpu.dimension_semantics<core_parallel>, #tpu.dimension_semantics<subcore_parallel>], iteration_bounds = array<i64: 2, 16>, scalar_prefetch = 0 : i64, scratch_operands = 5 : i64, tpu.core_type = #tpu.core_type<sc_vector_subcore>, window_params = [{transform_indices = #map}, {transform_indices = #map1}, {transform_indices = #map1}]} {
    %mul3A = arith.constant 2 : i32
    %mul3A_0 = arith.muli %arg1, %mul3A : i32
    %add3A = arith.addi %mul3A_0, %arg0 : i32
    %mul3A_1 = arith.constant 25600 : i32
    %mul3A_2 = arith.muli %add3A, %mul3A_1 : i32
    "tpu.region"() ({
      %run_scoped3A = tpu.sem_alloc : memref<!tpu.dma_semaphore, #tpu.memory_space<semaphore_mem>>
      %dma_start3A_290 = arith.constant 0 : i32
      %dma_start3A_291 = arith.constant 0 : i32
      %dma_start3A_292 = tpu.memref_slice %arg5[%dma_start3A_290, %dma_start3A_291] : memref<200x128xi32, #tpu.memory_space<vmem>> -> memref<32x128xi32, #tpu.memory_space<vmem>>
      %dma_start3A_293 = arith.constant 0 : i32
      %dma_start3A_294 = arith.constant 0 : i32
      %dma_start3A_295 = tpu.memref_slice %arg2[%add3A, %dma_start3A_293, %dma_start3A_294] : memref<32x200x128xi32, #tpu.memory_space<hbm>> -> memref<1x32x128xi32, #tpu.memory_space<hbm>>
      %dma_start3A_296 = tpu.memref_squeeze %dma_start3A_295 : memref<1x32x128xi32, #tpu.memory_space<hbm>> -> memref<32x128xi32, #tpu.memory_space<hbm>>
      %dma_start3A_297 = arith.constant 0 : i32
      %dma_start3A_298 = arith.constant 0 : i32
      %dma_start3A_299 = tpu.memref_slice %arg5[%dma_start3A_297, %dma_start3A_298] : memref<200x128xi32, #tpu.memory_space<vmem>> -> memref<32x128xi32, #tpu.memory_space<vmem>>
      %dma_start3A_300 = arith.constant 0 : i32
      %dma_start3A_301 = arith.constant 0 : i32
      %dma_start3A_302 = tpu.memref_slice %arg2[%add3A, %dma_start3A_300, %dma_start3A_301] : memref<32x200x128xi32, #tpu.memory_space<hbm>> -> memref<1x32x128xi32, #tpu.memory_space<hbm>>
      %dma_start3A_303 = tpu.memref_squeeze %dma_start3A_302 : memref<1x32x128xi32, #tpu.memory_space<hbm>> -> memref<32x128xi32, #tpu.memory_space<hbm>>
      tpu.enqueue_dma source(%dma_start3A_303 : memref<32x128xi32, #tpu.memory_space<hbm>>) target(%dma_start3A_299 : memref<32x128xi32, #tpu.memory_space<vmem>>) target_semaphore(%run_scoped3A : memref<!tpu.dma_semaphore, #tpu.memory_space<semaphore_mem>>)
      %dma_wait3A_304 = arith.constant 0 : i32
      %dma_wait3A_305 = arith.constant 0 : i32
      %dma_wait3A_306 = tpu.memref_slice %arg5[%dma_wait3A_304, %dma_wait3A_305] : memref<200x128xi32, #tpu.memory_space<vmem>> -> memref<32x128xi32, #tpu.memory_space<vmem>>
      %dma_wait3A_307 = arith.constant 0 : i32
      %dma_wait3A_308 = arith.constant 0 : i32
      %dma_wait3A_309 = tpu.memref_slice %arg2[%add3A, %dma_wait3A_307, %dma_wait3A_308] : memref<32x200x128xi32, #tpu.memory_space<hbm>> -> memref<1x32x128xi32, #tpu.memory_space<hbm>>
      %dma_wait3A_310 = tpu.memref_squeeze %dma_wait3A_309 : memref<1x32x128xi32, #tpu.memory_space<hbm>> -> memref<32x128xi32, #tpu.memory_space<hbm>>
      %dma_wait3A_311 = arith.constant 0 : i32
      %dma_wait3A_312 = arith.constant 0 : i32
      %dma_wait3A_313 = tpu.memref_slice %arg5[%dma_wait3A_311, %dma_wait3A_312] : memref<200x128xi32, #tpu.memory_space<vmem>> -> memref<32x128xi32, #tpu.memory_space<vmem>>
      %dma_wait3A_314 = arith.constant 0 : i32
      %dma_wait3A_315 = arith.constant 0 : i32
      %dma_wait3A_316 = tpu.memref_slice %arg2[%add3A, %dma_wait3A_314, %dma_wait3A_315] : memref<32x200x128xi32, #tpu.memory_space<hbm>> -> memref<1x32x128xi32, #tpu.memory_space<hbm>>
      %dma_wait3A_317 = tpu.memref_squeeze %dma_wait3A_316 : memref<1x32x128xi32, #tpu.memory_space<hbm>> -> memref<32x128xi32, #tpu.memory_space<hbm>>
      tpu.wait_dma2 semaphore(%run_scoped3A : memref<!tpu.dma_semaphore, #tpu.memory_space<semaphore_mem>>) src(%dma_wait3A_317 : memref<32x128xi32, #tpu.memory_space<hbm>>) dst(%dma_wait3A_313 : memref<32x128xi32, #tpu.memory_space<vmem>>)
      tpu.yield
    }) : () -> ()
    %dma_start3A = arith.constant 32 : i32
    %dma_start3A_3 = arith.constant 0 : i32
    %dma_start3A_4 = tpu.memref_slice %arg5[%dma_start3A, %dma_start3A_3] : memref<200x128xi32, #tpu.memory_space<vmem>> -> memref<168x128xi32, #tpu.memory_space<vmem>>
    %dma_start3A_5 = arith.constant 32 : i32
    %dma_start3A_6 = arith.constant 0 : i32
    %dma_start3A_7 = tpu.memref_slice %arg2[%add3A, %dma_start3A_5, %dma_start3A_6] : memref<32x200x128xi32, #tpu.memory_space<hbm>> -> memref<1x168x128xi32, #tpu.memory_space<hbm>>
    %dma_start3A_8 = tpu.memref_squeeze %dma_start3A_7 : memref<1x168x128xi32, #tpu.memory_space<hbm>> -> memref<168x128xi32, #tpu.memory_space<hbm>>
    %dma_start3A_9 = arith.constant 32 : i32
    %dma_start3A_10 = arith.constant 0 : i32
    %dma_start3A_11 = tpu.memref_slice %arg5[%dma_start3A_9, %dma_start3A_10] : memref<200x128xi32, #tpu.memory_space<vmem>> -> memref<168x128xi32, #tpu.memory_space<vmem>>
    %dma_start3A_12 = arith.constant 32 : i32
    %dma_start3A_13 = arith.constant 0 : i32
    %dma_start3A_14 = tpu.memref_slice %arg2[%add3A, %dma_start3A_12, %dma_start3A_13] : memref<32x200x128xi32, #tpu.memory_space<hbm>> -> memref<1x168x128xi32, #tpu.memory_space<hbm>>
    %dma_start3A_15 = tpu.memref_squeeze %dma_start3A_14 : memref<1x168x128xi32, #tpu.memory_space<hbm>> -> memref<168x128xi32, #tpu.memory_space<hbm>>
    tpu.enqueue_dma source(%dma_start3A_15 : memref<168x128xi32, #tpu.memory_space<hbm>>) target(%dma_start3A_11 : memref<168x128xi32, #tpu.memory_space<vmem>>) target_semaphore(%arg9 : memref<!tpu.dma_semaphore, #tpu.memory_space<semaphore_mem>>)
    %dma_start3A_16 = arith.constant 0 : i32
    %dma_start3A_17 = arith.constant 0 : i32
    %dma_start3A_18 = arith.constant 0 : i32
    %dma_start3A_19 = arith.constant 0 : i32
    %dma_start3A_20 = tpu.memref_slice %arg6[%dma_start3A_17, %dma_start3A_18, %dma_start3A_19] : memref<10x128x64xf32, #tpu.memory_space<vmem>> -> memref<1x128x64xf32, #tpu.memory_space<vmem>>
    %dma_start3A_21 = tpu.memref_squeeze %dma_start3A_20 : memref<1x128x64xf32, #tpu.memory_space<vmem>> -> memref<128x64xf32, #tpu.memory_space<vmem>>
    %dma_start3A_22 = arith.constant 0 : i32
    %dma_start3A_23 = tpu.memref_slice %arg5[%dma_start3A_16, %dma_start3A_22] : memref<200x128xi32, #tpu.memory_space<vmem>> -> memref<1x128xi32, #tpu.memory_space<vmem>>
    %dma_start3A_24 = tpu.memref_squeeze %dma_start3A_23 : memref<1x128xi32, #tpu.memory_space<vmem>> -> memref<128xi32, #tpu.memory_space<vmem>>
    %dma_start3A_25 = arith.constant 0 : i32
    %dma_start3A_26 = arith.constant 0 : i32
    %dma_start3A_27 = tpu.memref_slice %arg3[%dma_start3A_25, %dma_start3A_26] : memref<1000000x64xf32, #tpu.memory_space<hbm>> -> memref<1000000x64xf32, #tpu.memory_space<hbm>>
    tpu.enqueue_indirect_dma source(%dma_start3A_27 : memref<1000000x64xf32, #tpu.memory_space<hbm>>) target(%dma_start3A_21 : memref<128x64xf32, #tpu.memory_space<vmem>>) offsets(%dma_start3A_24 : memref<128xi32, #tpu.memory_space<vmem>>) semaphore(%arg7 : memref<!tpu.dma_semaphore, #tpu.memory_space<semaphore_mem>>)
    %dma_start3A_28 = arith.constant 1 : i32
    %dma_start3A_29 = arith.constant 1 : i32
    %dma_start3A_30 = arith.constant 0 : i32
    %dma_start3A_31 = arith.constant 0 : i32
    %dma_start3A_32 = tpu.memref_slice %arg6[%dma_start3A_29, %dma_start3A_30, %dma_start3A_31] : memref<10x128x64xf32, #tpu.memory_space<vmem>> -> memref<1x128x64xf32, #tpu.memory_space<vmem>>
    %dma_start3A_33 = tpu.memref_squeeze %dma_start3A_32 : memref<1x128x64xf32, #tpu.memory_space<vmem>> -> memref<128x64xf32, #tpu.memory_space<vmem>>
    %dma_start3A_34 = arith.constant 0 : i32
    %dma_start3A_35 = tpu.memref_slice %arg5[%dma_start3A_28, %dma_start3A_34] : memref<200x128xi32, #tpu.memory_space<vmem>> -> memref<1x128xi32, #tpu.memory_space<vmem>>
    %dma_start3A_36 = tpu.memref_squeeze %dma_start3A_35 : memref<1x128xi32, #tpu.memory_space<vmem>> -> memref<128xi32, #tpu.memory_space<vmem>>
    %dma_start3A_37 = arith.constant 0 : i32
    %dma_start3A_38 = arith.constant 0 : i32
    %dma_start3A_39 = tpu.memref_slice %arg3[%dma_start3A_37, %dma_start3A_38] : memref<1000000x64xf32, #tpu.memory_space<hbm>> -> memref<1000000x64xf32, #tpu.memory_space<hbm>>
    tpu.enqueue_indirect_dma source(%dma_start3A_39 : memref<1000000x64xf32, #tpu.memory_space<hbm>>) target(%dma_start3A_33 : memref<128x64xf32, #tpu.memory_space<vmem>>) offsets(%dma_start3A_36 : memref<128xi32, #tpu.memory_space<vmem>>) semaphore(%arg7 : memref<!tpu.dma_semaphore, #tpu.memory_space<semaphore_mem>>)
    %dma_start3A_40 = arith.constant 2 : i32
    %dma_start3A_41 = arith.constant 2 : i32
    %dma_start3A_42 = arith.constant 0 : i32
    %dma_start3A_43 = arith.constant 0 : i32
    %dma_start3A_44 = tpu.memref_slice %arg6[%dma_start3A_41, %dma_start3A_42, %dma_start3A_43] : memref<10x128x64xf32, #tpu.memory_space<vmem>> -> memref<1x128x64xf32, #tpu.memory_space<vmem>>
    %dma_start3A_45 = tpu.memref_squeeze %dma_start3A_44 : memref<1x128x64xf32, #tpu.memory_space<vmem>> -> memref<128x64xf32, #tpu.memory_space<vmem>>
    %dma_start3A_46 = arith.constant 0 : i32
    %dma_start3A_47 = tpu.memref_slice %arg5[%dma_start3A_40, %dma_start3A_46] : memref<200x128xi32, #tpu.memory_space<vmem>> -> memref<1x128xi32, #tpu.memory_space<vmem>>
    %dma_start3A_48 = tpu.memref_squeeze %dma_start3A_47 : memref<1x128xi32, #tpu.memory_space<vmem>> -> memref<128xi32, #tpu.memory_space<vmem>>
    %dma_start3A_49 = arith.constant 0 : i32
    %dma_start3A_50 = arith.constant 0 : i32
    %dma_start3A_51 = tpu.memref_slice %arg3[%dma_start3A_49, %dma_start3A_50] : memref<1000000x64xf32, #tpu.memory_space<hbm>> -> memref<1000000x64xf32, #tpu.memory_space<hbm>>
    tpu.enqueue_indirect_dma source(%dma_start3A_51 : memref<1000000x64xf32, #tpu.memory_space<hbm>>) target(%dma_start3A_45 : memref<128x64xf32, #tpu.memory_space<vmem>>) offsets(%dma_start3A_48 : memref<128xi32, #tpu.memory_space<vmem>>) semaphore(%arg7 : memref<!tpu.dma_semaphore, #tpu.memory_space<semaphore_mem>>)
    %dma_start3A_52 = arith.constant 3 : i32
    %dma_start3A_53 = arith.constant 3 : i32
    %dma_start3A_54 = arith.constant 0 : i32
    %dma_start3A_55 = arith.constant 0 : i32
    %dma_start3A_56 = tpu.memref_slice %arg6[%dma_start3A_53, %dma_start3A_54, %dma_start3A_55] : memref<10x128x64xf32, #tpu.memory_space<vmem>> -> memref<1x128x64xf32, #tpu.memory_space<vmem>>
    %dma_start3A_57 = tpu.memref_squeeze %dma_start3A_56 : memref<1x128x64xf32, #tpu.memory_space<vmem>> -> memref<128x64xf32, #tpu.memory_space<vmem>>
    %dma_start3A_58 = arith.constant 0 : i32
    %dma_start3A_59 = tpu.memref_slice %arg5[%dma_start3A_52, %dma_start3A_58] : memref<200x128xi32, #tpu.memory_space<vmem>> -> memref<1x128xi32, #tpu.memory_space<vmem>>
    %dma_start3A_60 = tpu.memref_squeeze %dma_start3A_59 : memref<1x128xi32, #tpu.memory_space<vmem>> -> memref<128xi32, #tpu.memory_space<vmem>>
    %dma_start3A_61 = arith.constant 0 : i32
    %dma_start3A_62 = arith.constant 0 : i32
    %dma_start3A_63 = tpu.memref_slice %arg3[%dma_start3A_61, %dma_start3A_62] : memref<1000000x64xf32, #tpu.memory_space<hbm>> -> memref<1000000x64xf32, #tpu.memory_space<hbm>>
    tpu.enqueue_indirect_dma source(%dma_start3A_63 : memref<1000000x64xf32, #tpu.memory_space<hbm>>) target(%dma_start3A_57 : memref<128x64xf32, #tpu.memory_space<vmem>>) offsets(%dma_start3A_60 : memref<128xi32, #tpu.memory_space<vmem>>) semaphore(%arg7 : memref<!tpu.dma_semaphore, #tpu.memory_space<semaphore_mem>>)
    %dma_start3A_64 = arith.constant 4 : i32
    %dma_start3A_65 = arith.constant 4 : i32
    %dma_start3A_66 = arith.constant 0 : i32
    %dma_start3A_67 = arith.constant 0 : i32
    %dma_start3A_68 = tpu.memref_slice %arg6[%dma_start3A_65, %dma_start3A_66, %dma_start3A_67] : memref<10x128x64xf32, #tpu.memory_space<vmem>> -> memref<1x128x64xf32, #tpu.memory_space<vmem>>
    %dma_start3A_69 = tpu.memref_squeeze %dma_start3A_68 : memref<1x128x64xf32, #tpu.memory_space<vmem>> -> memref<128x64xf32, #tpu.memory_space<vmem>>
    %dma_start3A_70 = arith.constant 0 : i32
    %dma_start3A_71 = tpu.memref_slice %arg5[%dma_start3A_64, %dma_start3A_70] : memref<200x128xi32, #tpu.memory_space<vmem>> -> memref<1x128xi32, #tpu.memory_space<vmem>>
    %dma_start3A_72 = tpu.memref_squeeze %dma_start3A_71 : memref<1x128xi32, #tpu.memory_space<vmem>> -> memref<128xi32, #tpu.memory_space<vmem>>
    %dma_start3A_73 = arith.constant 0 : i32
    %dma_start3A_74 = arith.constant 0 : i32
    %dma_start3A_75 = tpu.memref_slice %arg3[%dma_start3A_73, %dma_start3A_74] : memref<1000000x64xf32, #tpu.memory_space<hbm>> -> memref<1000000x64xf32, #tpu.memory_space<hbm>>
    tpu.enqueue_indirect_dma source(%dma_start3A_75 : memref<1000000x64xf32, #tpu.memory_space<hbm>>) target(%dma_start3A_69 : memref<128x64xf32, #tpu.memory_space<vmem>>) offsets(%dma_start3A_72 : memref<128xi32, #tpu.memory_space<vmem>>) semaphore(%arg7 : memref<!tpu.dma_semaphore, #tpu.memory_space<semaphore_mem>>)
    %dma_start3A_76 = arith.constant 5 : i32
    %dma_start3A_77 = arith.constant 5 : i32
    %dma_start3A_78 = arith.constant 0 : i32
    %dma_start3A_79 = arith.constant 0 : i32
    %dma_start3A_80 = tpu.memref_slice %arg6[%dma_start3A_77, %dma_start3A_78, %dma_start3A_79] : memref<10x128x64xf32, #tpu.memory_space<vmem>> -> memref<1x128x64xf32, #tpu.memory_space<vmem>>
    %dma_start3A_81 = tpu.memref_squeeze %dma_start3A_80 : memref<1x128x64xf32, #tpu.memory_space<vmem>> -> memref<128x64xf32, #tpu.memory_space<vmem>>
    %dma_start3A_82 = arith.constant 0 : i32
    %dma_start3A_83 = tpu.memref_slice %arg5[%dma_start3A_76, %dma_start3A_82] : memref<200x128xi32, #tpu.memory_space<vmem>> -> memref<1x128xi32, #tpu.memory_space<vmem>>
    %dma_start3A_84 = tpu.memref_squeeze %dma_start3A_83 : memref<1x128xi32, #tpu.memory_space<vmem>> -> memref<128xi32, #tpu.memory_space<vmem>>
    %dma_start3A_85 = arith.constant 0 : i32
    %dma_start3A_86 = arith.constant 0 : i32
    %dma_start3A_87 = tpu.memref_slice %arg3[%dma_start3A_85, %dma_start3A_86] : memref<1000000x64xf32, #tpu.memory_space<hbm>> -> memref<1000000x64xf32, #tpu.memory_space<hbm>>
    tpu.enqueue_indirect_dma source(%dma_start3A_87 : memref<1000000x64xf32, #tpu.memory_space<hbm>>) target(%dma_start3A_81 : memref<128x64xf32, #tpu.memory_space<vmem>>) offsets(%dma_start3A_84 : memref<128xi32, #tpu.memory_space<vmem>>) semaphore(%arg7 : memref<!tpu.dma_semaphore, #tpu.memory_space<semaphore_mem>>)
    %dma_start3A_88 = arith.constant 6 : i32
    %dma_start3A_89 = arith.constant 6 : i32
    %dma_start3A_90 = arith.constant 0 : i32
    %dma_start3A_91 = arith.constant 0 : i32
    %dma_start3A_92 = tpu.memref_slice %arg6[%dma_start3A_89, %dma_start3A_90, %dma_start3A_91] : memref<10x128x64xf32, #tpu.memory_space<vmem>> -> memref<1x128x64xf32, #tpu.memory_space<vmem>>
    %dma_start3A_93 = tpu.memref_squeeze %dma_start3A_92 : memref<1x128x64xf32, #tpu.memory_space<vmem>> -> memref<128x64xf32, #tpu.memory_space<vmem>>
    %dma_start3A_94 = arith.constant 0 : i32
    %dma_start3A_95 = tpu.memref_slice %arg5[%dma_start3A_88, %dma_start3A_94] : memref<200x128xi32, #tpu.memory_space<vmem>> -> memref<1x128xi32, #tpu.memory_space<vmem>>
    %dma_start3A_96 = tpu.memref_squeeze %dma_start3A_95 : memref<1x128xi32, #tpu.memory_space<vmem>> -> memref<128xi32, #tpu.memory_space<vmem>>
    %dma_start3A_97 = arith.constant 0 : i32
    %dma_start3A_98 = arith.constant 0 : i32
    %dma_start3A_99 = tpu.memref_slice %arg3[%dma_start3A_97, %dma_start3A_98] : memref<1000000x64xf32, #tpu.memory_space<hbm>> -> memref<1000000x64xf32, #tpu.memory_space<hbm>>
    tpu.enqueue_indirect_dma source(%dma_start3A_99 : memref<1000000x64xf32, #tpu.memory_space<hbm>>) target(%dma_start3A_93 : memref<128x64xf32, #tpu.memory_space<vmem>>) offsets(%dma_start3A_96 : memref<128xi32, #tpu.memory_space<vmem>>) semaphore(%arg7 : memref<!tpu.dma_semaphore, #tpu.memory_space<semaphore_mem>>)
    %dma_start3A_100 = arith.constant 7 : i32
    %dma_start3A_101 = arith.constant 7 : i32
    %dma_start3A_102 = arith.constant 0 : i32
    %dma_start3A_103 = arith.constant 0 : i32
    %dma_start3A_104 = tpu.memref_slice %arg6[%dma_start3A_101, %dma_start3A_102, %dma_start3A_103] : memref<10x128x64xf32, #tpu.memory_space<vmem>> -> memref<1x128x64xf32, #tpu.memory_space<vmem>>
    %dma_start3A_105 = tpu.memref_squeeze %dma_start3A_104 : memref<1x128x64xf32, #tpu.memory_space<vmem>> -> memref<128x64xf32, #tpu.memory_space<vmem>>
    %dma_start3A_106 = arith.constant 0 : i32
    %dma_start3A_107 = tpu.memref_slice %arg5[%dma_start3A_100, %dma_start3A_106] : memref<200x128xi32, #tpu.memory_space<vmem>> -> memref<1x128xi32, #tpu.memory_space<vmem>>
    %dma_start3A_108 = tpu.memref_squeeze %dma_start3A_107 : memref<1x128xi32, #tpu.memory_space<vmem>> -> memref<128xi32, #tpu.memory_space<vmem>>
    %dma_start3A_109 = arith.constant 0 : i32
    %dma_start3A_110 = arith.constant 0 : i32
    %dma_start3A_111 = tpu.memref_slice %arg3[%dma_start3A_109, %dma_start3A_110] : memref<1000000x64xf32, #tpu.memory_space<hbm>> -> memref<1000000x64xf32, #tpu.memory_space<hbm>>
    tpu.enqueue_indirect_dma source(%dma_start3A_111 : memref<1000000x64xf32, #tpu.memory_space<hbm>>) target(%dma_start3A_105 : memref<128x64xf32, #tpu.memory_space<vmem>>) offsets(%dma_start3A_108 : memref<128xi32, #tpu.memory_space<vmem>>) semaphore(%arg7 : memref<!tpu.dma_semaphore, #tpu.memory_space<semaphore_mem>>)
    %dma_start3A_112 = arith.constant 8 : i32
    %dma_start3A_113 = arith.constant 8 : i32
    %dma_start3A_114 = arith.constant 0 : i32
    %dma_start3A_115 = arith.constant 0 : i32
    %dma_start3A_116 = tpu.memref_slice %arg6[%dma_start3A_113, %dma_start3A_114, %dma_start3A_115] : memref<10x128x64xf32, #tpu.memory_space<vmem>> -> memref<1x128x64xf32, #tpu.memory_space<vmem>>
    %dma_start3A_117 = tpu.memref_squeeze %dma_start3A_116 : memref<1x128x64xf32, #tpu.memory_space<vmem>> -> memref<128x64xf32, #tpu.memory_space<vmem>>
    %dma_start3A_118 = arith.constant 0 : i32
    %dma_start3A_119 = tpu.memref_slice %arg5[%dma_start3A_112, %dma_start3A_118] : memref<200x128xi32, #tpu.memory_space<vmem>> -> memref<1x128xi32, #tpu.memory_space<vmem>>
    %dma_start3A_120 = tpu.memref_squeeze %dma_start3A_119 : memref<1x128xi32, #tpu.memory_space<vmem>> -> memref<128xi32, #tpu.memory_space<vmem>>
    %dma_start3A_121 = arith.constant 0 : i32
    %dma_start3A_122 = arith.constant 0 : i32
    %dma_start3A_123 = tpu.memref_slice %arg3[%dma_start3A_121, %dma_start3A_122] : memref<1000000x64xf32, #tpu.memory_space<hbm>> -> memref<1000000x64xf32, #tpu.memory_space<hbm>>
    tpu.enqueue_indirect_dma source(%dma_start3A_123 : memref<1000000x64xf32, #tpu.memory_space<hbm>>) target(%dma_start3A_117 : memref<128x64xf32, #tpu.memory_space<vmem>>) offsets(%dma_start3A_120 : memref<128xi32, #tpu.memory_space<vmem>>) semaphore(%arg7 : memref<!tpu.dma_semaphore, #tpu.memory_space<semaphore_mem>>)
    %dma_start3A_124 = arith.constant 9 : i32
    %dma_start3A_125 = arith.constant 9 : i32
    %dma_start3A_126 = arith.constant 0 : i32
    %dma_start3A_127 = arith.constant 0 : i32
    %dma_start3A_128 = tpu.memref_slice %arg6[%dma_start3A_125, %dma_start3A_126, %dma_start3A_127] : memref<10x128x64xf32, #tpu.memory_space<vmem>> -> memref<1x128x64xf32, #tpu.memory_space<vmem>>
    %dma_start3A_129 = tpu.memref_squeeze %dma_start3A_128 : memref<1x128x64xf32, #tpu.memory_space<vmem>> -> memref<128x64xf32, #tpu.memory_space<vmem>>
    %dma_start3A_130 = arith.constant 0 : i32
    %dma_start3A_131 = tpu.memref_slice %arg5[%dma_start3A_124, %dma_start3A_130] : memref<200x128xi32, #tpu.memory_space<vmem>> -> memref<1x128xi32, #tpu.memory_space<vmem>>
    %dma_start3A_132 = tpu.memref_squeeze %dma_start3A_131 : memref<1x128xi32, #tpu.memory_space<vmem>> -> memref<128xi32, #tpu.memory_space<vmem>>
    %dma_start3A_133 = arith.constant 0 : i32
    %dma_start3A_134 = arith.constant 0 : i32
    %dma_start3A_135 = tpu.memref_slice %arg3[%dma_start3A_133, %dma_start3A_134] : memref<1000000x64xf32, #tpu.memory_space<hbm>> -> memref<1000000x64xf32, #tpu.memory_space<hbm>>
    tpu.enqueue_indirect_dma source(%dma_start3A_135 : memref<1000000x64xf32, #tpu.memory_space<hbm>>) target(%dma_start3A_129 : memref<128x64xf32, #tpu.memory_space<vmem>>) offsets(%dma_start3A_132 : memref<128xi32, #tpu.memory_space<vmem>>) semaphore(%arg7 : memref<!tpu.dma_semaphore, #tpu.memory_space<semaphore_mem>>)
    %scan3A = arith.constant 0 : i32
    %scan3A_136 = arith.constant 0 : i32
    %scan3A_137 = arith.constant 20 : i32
    %scan3A_138 = arith.addi %scan3A_136, %scan3A_137 : i32
    %scan3A_139 = arith.constant 1 : i32
    scf.for %scan3A_290 = %scan3A_136 to %scan3A_138 step %scan3A_139  : i32 {
      %eq3A = arith.constant 2 : i32
      %eq3A_291 = arith.cmpi eq, %scan3A_290, %eq3A : i32
      %convert_element_type3A = arith.extui %eq3A_291 : i1 to i32
      %cond3A = arith.constant 0 : i32
      %cond3A_292 = arith.cmpi ne, %convert_element_type3A, %cond3A : i32
      scf.if %cond3A_292 {
        %dma_wait3A_759 = arith.constant 32 : i32
        %dma_wait3A_760 = arith.constant 0 : i32
        %dma_wait3A_761 = tpu.memref_slice %arg5[%dma_wait3A_759, %dma_wait3A_760] : memref<200x128xi32, #tpu.memory_space<vmem>> -> memref<168x128xi32, #tpu.memory_space<vmem>>
        %dma_wait3A_762 = arith.constant 32 : i32
        %dma_wait3A_763 = arith.constant 0 : i32
        %dma_wait3A_764 = tpu.memref_slice %arg2[%add3A, %dma_wait3A_762, %dma_wait3A_763] : memref<32x200x128xi32, #tpu.memory_space<hbm>> -> memref<1x168x128xi32, #tpu.memory_space<hbm>>
        %dma_wait3A_765 = tpu.memref_squeeze %dma_wait3A_764 : memref<1x168x128xi32, #tpu.memory_space<hbm>> -> memref<168x128xi32, #tpu.memory_space<hbm>>
        %dma_wait3A_766 = arith.constant 32 : i32
        %dma_wait3A_767 = arith.constant 0 : i32
        %dma_wait3A_768 = tpu.memref_slice %arg5[%dma_wait3A_766, %dma_wait3A_767] : memref<200x128xi32, #tpu.memory_space<vmem>> -> memref<168x128xi32, #tpu.memory_space<vmem>>
        %dma_wait3A_769 = arith.constant 32 : i32
        %dma_wait3A_770 = arith.constant 0 : i32
        %dma_wait3A_771 = tpu.memref_slice %arg2[%add3A, %dma_wait3A_769, %dma_wait3A_770] : memref<32x200x128xi32, #tpu.memory_space<hbm>> -> memref<1x168x128xi32, #tpu.memory_space<hbm>>
        %dma_wait3A_772 = tpu.memref_squeeze %dma_wait3A_771 : memref<1x168x128xi32, #tpu.memory_space<hbm>> -> memref<168x128xi32, #tpu.memory_space<hbm>>
        tpu.wait_dma2 semaphore(%arg9 : memref<!tpu.dma_semaphore, #tpu.memory_space<semaphore_mem>>) src(%dma_wait3A_772 : memref<168x128xi32, #tpu.memory_space<hbm>>) dst(%dma_wait3A_768 : memref<168x128xi32, #tpu.memory_space<vmem>>)
      } else {
      }
      %mul3A_293 = arith.constant 10 : i32
      %mul3A_294 = arith.muli %scan3A_290, %mul3A_293 : i32
      %add3A_295 = arith.constant 0 : i32
      %add3A_296 = arith.addi %mul3A_294, %add3A_295 : i32
      %add3A_297 = arith.constant 10 : i32
      %add3A_298 = arith.addi %add3A_296, %add3A_297 : i32
      %sub3A = arith.constant 4 : i32
      %sub3A_299 = arith.subi %add3A_298, %sub3A : i32
      %dma_wait3A_300 = arith.constant 0 : i32
      %dma_wait3A_301 = arith.constant 0 : i32
      %dma_wait3A_302 = arith.constant 0 : i32
      %dma_wait3A_303 = tpu.memref_slice %arg6[%dma_wait3A_300, %dma_wait3A_301, %dma_wait3A_302] : memref<10x128x64xf32, #tpu.memory_space<vmem>> -> memref<1x128x64xf32, #tpu.memory_space<vmem>>
      %dma_wait3A_304 = tpu.memref_squeeze %dma_wait3A_303 : memref<1x128x64xf32, #tpu.memory_space<vmem>> -> memref<128x64xf32, #tpu.memory_space<vmem>>
      %dma_wait3A_305 = arith.constant 0 : i32
      %dma_wait3A_306 = arith.constant 0 : i32
      %dma_wait3A_307 = tpu.memref_slice %arg4[%dma_wait3A_305, %dma_wait3A_306] : memref<819200x64xf32, #tpu.memory_space<hbm>> -> memref<128x64xf32, #tpu.memory_space<hbm>>
      %dma_wait3A_308 = arith.constant 0 : i32
      %dma_wait3A_309 = arith.constant 0 : i32
      %dma_wait3A_310 = tpu.memref_slice %arg6[%dma_wait3A_300, %dma_wait3A_308, %dma_wait3A_309] : memref<10x128x64xf32, #tpu.memory_space<vmem>> -> memref<1x128x64xf32, #tpu.memory_space<vmem>>
      %dma_wait3A_311 = tpu.memref_squeeze %dma_wait3A_310 : memref<1x128x64xf32, #tpu.memory_space<vmem>> -> memref<128x64xf32, #tpu.memory_space<vmem>>
      %dma_wait3A_312 = arith.constant 0 : i32
      %dma_wait3A_313 = arith.constant 0 : i32
      %dma_wait3A_314 = tpu.memref_slice %arg4[%dma_wait3A_312, %dma_wait3A_313] : memref<819200x64xf32, #tpu.memory_space<hbm>> -> memref<128x64xf32, #tpu.memory_space<hbm>>
      tpu.wait_dma2 semaphore(%arg7 : memref<!tpu.dma_semaphore, #tpu.memory_space<semaphore_mem>>) src(%dma_wait3A_314 : memref<128x64xf32, #tpu.memory_space<hbm>>) dst(%dma_wait3A_311 : memref<128x64xf32, #tpu.memory_space<vmem>>)
      %mul3A_315 = arith.constant 128 : i32
      %mul3A_316 = arith.muli %add3A_296, %mul3A_315 : i32
      %add3A_317 = arith.addi %mul3A_2, %mul3A_316 : i32
      %dma_start3A_318 = arith.constant 0 : i32
      %dma_start3A_319 = arith.constant 0 : i32
      %dma_start3A_320 = arith.constant 0 : i32
      %dma_start3A_321 = tpu.memref_slice %arg6[%dma_start3A_318, %dma_start3A_319, %dma_start3A_320] : memref<10x128x64xf32, #tpu.memory_space<vmem>> -> memref<1x128x64xf32, #tpu.memory_space<vmem>>
      %dma_start3A_322 = tpu.memref_squeeze %dma_start3A_321 : memref<1x128x64xf32, #tpu.memory_space<vmem>> -> memref<128x64xf32, #tpu.memory_space<vmem>>
      %dma_start3A_323 = arith.constant 0 : i32
      %dma_start3A_324 = tpu.memref_slice %arg4[%add3A_317, %dma_start3A_323] : memref<819200x64xf32, #tpu.memory_space<hbm>> -> memref<128x64xf32, #tpu.memory_space<hbm>>
      %dma_start3A_325 = arith.constant 0 : i32
      %dma_start3A_326 = tpu.memref_slice %arg4[%add3A_317, %dma_start3A_325] : memref<819200x64xf32, #tpu.memory_space<hbm>> -> memref<128x64xf32, #tpu.memory_space<hbm>>
      %dma_start3A_327 = arith.constant 0 : i32
      %dma_start3A_328 = arith.constant 0 : i32
      %dma_start3A_329 = tpu.memref_slice %arg6[%dma_start3A_318, %dma_start3A_327, %dma_start3A_328] : memref<10x128x64xf32, #tpu.memory_space<vmem>> -> memref<1x128x64xf32, #tpu.memory_space<vmem>>
      %dma_start3A_330 = tpu.memref_squeeze %dma_start3A_329 : memref<1x128x64xf32, #tpu.memory_space<vmem>> -> memref<128x64xf32, #tpu.memory_space<vmem>>
      tpu.enqueue_dma source(%dma_start3A_330 : memref<128x64xf32, #tpu.memory_space<vmem>>) target(%dma_start3A_326 : memref<128x64xf32, #tpu.memory_space<hbm>>) target_semaphore(%arg8 : memref<!tpu.dma_semaphore, #tpu.memory_space<semaphore_mem>>)
      %ge3A = arith.constant 4 : i32
      %ge3A_331 = arith.cmpi sge, %add3A_296, %ge3A : i32
      %lt3A = arith.constant 200 : i32
      %lt3A_332 = arith.cmpi slt, %sub3A_299, %lt3A : i32
      %and3A = arith.andi %ge3A_331, %lt3A_332 : i1
      %convert_element_type3A_333 = arith.extui %and3A : i1 to i32
      %cond3A_334 = arith.constant 0 : i32
      %cond3A_335 = arith.cmpi ne, %convert_element_type3A_333, %cond3A_334 : i32
      scf.if %cond3A_335 {
        %dma_wait3A_759 = arith.constant 6 : i32
        %dma_wait3A_760 = arith.constant 0 : i32
        %dma_wait3A_761 = arith.constant 0 : i32
        %dma_wait3A_762 = tpu.memref_slice %arg6[%dma_wait3A_759, %dma_wait3A_760, %dma_wait3A_761] : memref<10x128x64xf32, #tpu.memory_space<vmem>> -> memref<1x128x64xf32, #tpu.memory_space<vmem>>
        %dma_wait3A_763 = tpu.memref_squeeze %dma_wait3A_762 : memref<1x128x64xf32, #tpu.memory_space<vmem>> -> memref<128x64xf32, #tpu.memory_space<vmem>>
        %dma_wait3A_764 = arith.constant 0 : i32
        %dma_wait3A_765 = arith.constant 0 : i32
        %dma_wait3A_766 = tpu.memref_slice %arg4[%dma_wait3A_764, %dma_wait3A_765] : memref<819200x64xf32, #tpu.memory_space<hbm>> -> memref<128x64xf32, #tpu.memory_space<hbm>>
        %dma_wait3A_767 = arith.constant 0 : i32
        %dma_wait3A_768 = arith.constant 0 : i32
        %dma_wait3A_769 = tpu.memref_slice %arg6[%dma_wait3A_759, %dma_wait3A_767, %dma_wait3A_768] : memref<10x128x64xf32, #tpu.memory_space<vmem>> -> memref<1x128x64xf32, #tpu.memory_space<vmem>>
        %dma_wait3A_770 = tpu.memref_squeeze %dma_wait3A_769 : memref<1x128x64xf32, #tpu.memory_space<vmem>> -> memref<128x64xf32, #tpu.memory_space<vmem>>
        %dma_wait3A_771 = arith.constant 0 : i32
        %dma_wait3A_772 = arith.constant 0 : i32
        %dma_wait3A_773 = tpu.memref_slice %arg4[%dma_wait3A_771, %dma_wait3A_772] : memref<819200x64xf32, #tpu.memory_space<hbm>> -> memref<128x64xf32, #tpu.memory_space<hbm>>
        tpu.wait_dma2 semaphore(%arg8 : memref<!tpu.dma_semaphore, #tpu.memory_space<semaphore_mem>>) src(%dma_wait3A_773 : memref<128x64xf32, #tpu.memory_space<hbm>>) dst(%dma_wait3A_770 : memref<128x64xf32, #tpu.memory_space<vmem>>)
        %dma_start3A_774 = arith.constant 6 : i32
        %dma_start3A_775 = arith.constant 0 : i32
        %dma_start3A_776 = arith.constant 0 : i32
        %dma_start3A_777 = tpu.memref_slice %arg6[%dma_start3A_774, %dma_start3A_775, %dma_start3A_776] : memref<10x128x64xf32, #tpu.memory_space<vmem>> -> memref<1x128x64xf32, #tpu.memory_space<vmem>>
        %dma_start3A_778 = tpu.memref_squeeze %dma_start3A_777 : memref<1x128x64xf32, #tpu.memory_space<vmem>> -> memref<128x64xf32, #tpu.memory_space<vmem>>
        %dma_start3A_779 = arith.constant 0 : i32
        %dma_start3A_780 = tpu.memref_slice %arg5[%sub3A_299, %dma_start3A_779] : memref<200x128xi32, #tpu.memory_space<vmem>> -> memref<1x128xi32, #tpu.memory_space<vmem>>
        %dma_start3A_781 = tpu.memref_squeeze %dma_start3A_780 : memref<1x128xi32, #tpu.memory_space<vmem>> -> memref<128xi32, #tpu.memory_space<vmem>>
        %dma_start3A_782 = arith.constant 0 : i32
        %dma_start3A_783 = arith.constant 0 : i32
        %dma_start3A_784 = tpu.memref_slice %arg3[%dma_start3A_782, %dma_start3A_783] : memref<1000000x64xf32, #tpu.memory_space<hbm>> -> memref<1000000x64xf32, #tpu.memory_space<hbm>>
        tpu.enqueue_indirect_dma source(%dma_start3A_784 : memref<1000000x64xf32, #tpu.memory_space<hbm>>) target(%dma_start3A_778 : memref<128x64xf32, #tpu.memory_space<vmem>>) offsets(%dma_start3A_781 : memref<128xi32, #tpu.memory_space<vmem>>) semaphore(%arg7 : memref<!tpu.dma_semaphore, #tpu.memory_space<semaphore_mem>>)
      } else {
      }
      %mul3A_336 = arith.constant 10 : i32
      %mul3A_337 = arith.muli %scan3A_290, %mul3A_336 : i32
      %add3A_338 = arith.constant 1 : i32
      %add3A_339 = arith.addi %mul3A_337, %add3A_338 : i32
      %add3A_340 = arith.constant 10 : i32
      %add3A_341 = arith.addi %add3A_339, %add3A_340 : i32
      %sub3A_342 = arith.constant 4 : i32
      %sub3A_343 = arith.subi %add3A_341, %sub3A_342 : i32
      %dma_wait3A_344 = arith.constant 1 : i32
      %dma_wait3A_345 = arith.constant 0 : i32
      %dma_wait3A_346 = arith.constant 0 : i32
      %dma_wait3A_347 = tpu.memref_slice %arg6[%dma_wait3A_344, %dma_wait3A_345, %dma_wait3A_346] : memref<10x128x64xf32, #tpu.memory_space<vmem>> -> memref<1x128x64xf32, #tpu.memory_space<vmem>>
      %dma_wait3A_348 = tpu.memref_squeeze %dma_wait3A_347 : memref<1x128x64xf32, #tpu.memory_space<vmem>> -> memref<128x64xf32, #tpu.memory_space<vmem>>
      %dma_wait3A_349 = arith.constant 0 : i32
      %dma_wait3A_350 = arith.constant 0 : i32
      %dma_wait3A_351 = tpu.memref_slice %arg4[%dma_wait3A_349, %dma_wait3A_350] : memref<819200x64xf32, #tpu.memory_space<hbm>> -> memref<128x64xf32, #tpu.memory_space<hbm>>
      %dma_wait3A_352 = arith.constant 0 : i32
      %dma_wait3A_353 = arith.constant 0 : i32
      %dma_wait3A_354 = tpu.memref_slice %arg6[%dma_wait3A_344, %dma_wait3A_352, %dma_wait3A_353] : memref<10x128x64xf32, #tpu.memory_space<vmem>> -> memref<1x128x64xf32, #tpu.memory_space<vmem>>
      %dma_wait3A_355 = tpu.memref_squeeze %dma_wait3A_354 : memref<1x128x64xf32, #tpu.memory_space<vmem>> -> memref<128x64xf32, #tpu.memory_space<vmem>>
      %dma_wait3A_356 = arith.constant 0 : i32
      %dma_wait3A_357 = arith.constant 0 : i32
      %dma_wait3A_358 = tpu.memref_slice %arg4[%dma_wait3A_356, %dma_wait3A_357] : memref<819200x64xf32, #tpu.memory_space<hbm>> -> memref<128x64xf32, #tpu.memory_space<hbm>>
      tpu.wait_dma2 semaphore(%arg7 : memref<!tpu.dma_semaphore, #tpu.memory_space<semaphore_mem>>) src(%dma_wait3A_358 : memref<128x64xf32, #tpu.memory_space<hbm>>) dst(%dma_wait3A_355 : memref<128x64xf32, #tpu.memory_space<vmem>>)
      %mul3A_359 = arith.constant 128 : i32
      %mul3A_360 = arith.muli %add3A_339, %mul3A_359 : i32
      %add3A_361 = arith.addi %mul3A_2, %mul3A_360 : i32
      %dma_start3A_362 = arith.constant 1 : i32
      %dma_start3A_363 = arith.constant 0 : i32
      %dma_start3A_364 = arith.constant 0 : i32
      %dma_start3A_365 = tpu.memref_slice %arg6[%dma_start3A_362, %dma_start3A_363, %dma_start3A_364] : memref<10x128x64xf32, #tpu.memory_space<vmem>> -> memref<1x128x64xf32, #tpu.memory_space<vmem>>
      %dma_start3A_366 = tpu.memref_squeeze %dma_start3A_365 : memref<1x128x64xf32, #tpu.memory_space<vmem>> -> memref<128x64xf32, #tpu.memory_space<vmem>>
      %dma_start3A_367 = arith.constant 0 : i32
      %dma_start3A_368 = tpu.memref_slice %arg4[%add3A_361, %dma_start3A_367] : memref<819200x64xf32, #tpu.memory_space<hbm>> -> memref<128x64xf32, #tpu.memory_space<hbm>>
      %dma_start3A_369 = arith.constant 0 : i32
      %dma_start3A_370 = tpu.memref_slice %arg4[%add3A_361, %dma_start3A_369] : memref<819200x64xf32, #tpu.memory_space<hbm>> -> memref<128x64xf32, #tpu.memory_space<hbm>>
      %dma_start3A_371 = arith.constant 0 : i32
      %dma_start3A_372 = arith.constant 0 : i32
      %dma_start3A_373 = tpu.memref_slice %arg6[%dma_start3A_362, %dma_start3A_371, %dma_start3A_372] : memref<10x128x64xf32, #tpu.memory_space<vmem>> -> memref<1x128x64xf32, #tpu.memory_space<vmem>>
      %dma_start3A_374 = tpu.memref_squeeze %dma_start3A_373 : memref<1x128x64xf32, #tpu.memory_space<vmem>> -> memref<128x64xf32, #tpu.memory_space<vmem>>
      tpu.enqueue_dma source(%dma_start3A_374 : memref<128x64xf32, #tpu.memory_space<vmem>>) target(%dma_start3A_370 : memref<128x64xf32, #tpu.memory_space<hbm>>) target_semaphore(%arg8 : memref<!tpu.dma_semaphore, #tpu.memory_space<semaphore_mem>>)
      %ge3A_375 = arith.constant 4 : i32
      %ge3A_376 = arith.cmpi sge, %add3A_339, %ge3A_375 : i32
      %lt3A_377 = arith.constant 200 : i32
      %lt3A_378 = arith.cmpi slt, %sub3A_343, %lt3A_377 : i32
      %and3A_379 = arith.andi %ge3A_376, %lt3A_378 : i1
      %convert_element_type3A_380 = arith.extui %and3A_379 : i1 to i32
      %cond3A_381 = arith.constant 0 : i32
      %cond3A_382 = arith.cmpi ne, %convert_element_type3A_380, %cond3A_381 : i32
      scf.if %cond3A_382 {
        %dma_wait3A_759 = arith.constant 7 : i32
        %dma_wait3A_760 = arith.constant 0 : i32
        %dma_wait3A_761 = arith.constant 0 : i32
        %dma_wait3A_762 = tpu.memref_slice %arg6[%dma_wait3A_759, %dma_wait3A_760, %dma_wait3A_761] : memref<10x128x64xf32, #tpu.memory_space<vmem>> -> memref<1x128x64xf32, #tpu.memory_space<vmem>>
        %dma_wait3A_763 = tpu.memref_squeeze %dma_wait3A_762 : memref<1x128x64xf32, #tpu.memory_space<vmem>> -> memref<128x64xf32, #tpu.memory_space<vmem>>
        %dma_wait3A_764 = arith.constant 0 : i32
        %dma_wait3A_765 = arith.constant 0 : i32
        %dma_wait3A_766 = tpu.memref_slice %arg4[%dma_wait3A_764, %dma_wait3A_765] : memref<819200x64xf32, #tpu.memory_space<hbm>> -> memref<128x64xf32, #tpu.memory_space<hbm>>
        %dma_wait3A_767 = arith.constant 0 : i32
        %dma_wait3A_768 = arith.constant 0 : i32
        %dma_wait3A_769 = tpu.memref_slice %arg6[%dma_wait3A_759, %dma_wait3A_767, %dma_wait3A_768] : memref<10x128x64xf32, #tpu.memory_space<vmem>> -> memref<1x128x64xf32, #tpu.memory_space<vmem>>
        %dma_wait3A_770 = tpu.memref_squeeze %dma_wait3A_769 : memref<1x128x64xf32, #tpu.memory_space<vmem>> -> memref<128x64xf32, #tpu.memory_space<vmem>>
        %dma_wait3A_771 = arith.constant 0 : i32
        %dma_wait3A_772 = arith.constant 0 : i32
        %dma_wait3A_773 = tpu.memref_slice %arg4[%dma_wait3A_771, %dma_wait3A_772] : memref<819200x64xf32, #tpu.memory_space<hbm>> -> memref<128x64xf32, #tpu.memory_space<hbm>>
        tpu.wait_dma2 semaphore(%arg8 : memref<!tpu.dma_semaphore, #tpu.memory_space<semaphore_mem>>) src(%dma_wait3A_773 : memref<128x64xf32, #tpu.memory_space<hbm>>) dst(%dma_wait3A_770 : memref<128x64xf32, #tpu.memory_space<vmem>>)
        %dma_start3A_774 = arith.constant 7 : i32
        %dma_start3A_775 = arith.constant 0 : i32
        %dma_start3A_776 = arith.constant 0 : i32
        %dma_start3A_777 = tpu.memref_slice %arg6[%dma_start3A_774, %dma_start3A_775, %dma_start3A_776] : memref<10x128x64xf32, #tpu.memory_space<vmem>> -> memref<1x128x64xf32, #tpu.memory_space<vmem>>
        %dma_start3A_778 = tpu.memref_squeeze %dma_start3A_777 : memref<1x128x64xf32, #tpu.memory_space<vmem>> -> memref<128x64xf32, #tpu.memory_space<vmem>>
        %dma_start3A_779 = arith.constant 0 : i32
        %dma_start3A_780 = tpu.memref_slice %arg5[%sub3A_343, %dma_start3A_779] : memref<200x128xi32, #tpu.memory_space<vmem>> -> memref<1x128xi32, #tpu.memory_space<vmem>>
        %dma_start3A_781 = tpu.memref_squeeze %dma_start3A_780 : memref<1x128xi32, #tpu.memory_space<vmem>> -> memref<128xi32, #tpu.memory_space<vmem>>
        %dma_start3A_782 = arith.constant 0 : i32
        %dma_start3A_783 = arith.constant 0 : i32
        %dma_start3A_784 = tpu.memref_slice %arg3[%dma_start3A_782, %dma_start3A_783] : memref<1000000x64xf32, #tpu.memory_space<hbm>> -> memref<1000000x64xf32, #tpu.memory_space<hbm>>
        tpu.enqueue_indirect_dma source(%dma_start3A_784 : memref<1000000x64xf32, #tpu.memory_space<hbm>>) target(%dma_start3A_778 : memref<128x64xf32, #tpu.memory_space<vmem>>) offsets(%dma_start3A_781 : memref<128xi32, #tpu.memory_space<vmem>>) semaphore(%arg7 : memref<!tpu.dma_semaphore, #tpu.memory_space<semaphore_mem>>)
      } else {
      }
      %mul3A_383 = arith.constant 10 : i32
      %mul3A_384 = arith.muli %scan3A_290, %mul3A_383 : i32
      %add3A_385 = arith.constant 2 : i32
      %add3A_386 = arith.addi %mul3A_384, %add3A_385 : i32
      %add3A_387 = arith.constant 10 : i32
      %add3A_388 = arith.addi %add3A_386, %add3A_387 : i32
      %sub3A_389 = arith.constant 4 : i32
      %sub3A_390 = arith.subi %add3A_388, %sub3A_389 : i32
      %dma_wait3A_391 = arith.constant 2 : i32
      %dma_wait3A_392 = arith.constant 0 : i32
      %dma_wait3A_393 = arith.constant 0 : i32
      %dma_wait3A_394 = tpu.memref_slice %arg6[%dma_wait3A_391, %dma_wait3A_392, %dma_wait3A_393] : memref<10x128x64xf32, #tpu.memory_space<vmem>> -> memref<1x128x64xf32, #tpu.memory_space<vmem>>
      %dma_wait3A_395 = tpu.memref_squeeze %dma_wait3A_394 : memref<1x128x64xf32, #tpu.memory_space<vmem>> -> memref<128x64xf32, #tpu.memory_space<vmem>>
      %dma_wait3A_396 = arith.constant 0 : i32
      %dma_wait3A_397 = arith.constant 0 : i32
      %dma_wait3A_398 = tpu.memref_slice %arg4[%dma_wait3A_396, %dma_wait3A_397] : memref<819200x64xf32, #tpu.memory_space<hbm>> -> memref<128x64xf32, #tpu.memory_space<hbm>>
      %dma_wait3A_399 = arith.constant 0 : i32
      %dma_wait3A_400 = arith.constant 0 : i32
      %dma_wait3A_401 = tpu.memref_slice %arg6[%dma_wait3A_391, %dma_wait3A_399, %dma_wait3A_400] : memref<10x128x64xf32, #tpu.memory_space<vmem>> -> memref<1x128x64xf32, #tpu.memory_space<vmem>>
      %dma_wait3A_402 = tpu.memref_squeeze %dma_wait3A_401 : memref<1x128x64xf32, #tpu.memory_space<vmem>> -> memref<128x64xf32, #tpu.memory_space<vmem>>
      %dma_wait3A_403 = arith.constant 0 : i32
      %dma_wait3A_404 = arith.constant 0 : i32
      %dma_wait3A_405 = tpu.memref_slice %arg4[%dma_wait3A_403, %dma_wait3A_404] : memref<819200x64xf32, #tpu.memory_space<hbm>> -> memref<128x64xf32, #tpu.memory_space<hbm>>
      tpu.wait_dma2 semaphore(%arg7 : memref<!tpu.dma_semaphore, #tpu.memory_space<semaphore_mem>>) src(%dma_wait3A_405 : memref<128x64xf32, #tpu.memory_space<hbm>>) dst(%dma_wait3A_402 : memref<128x64xf32, #tpu.memory_space<vmem>>)
      %mul3A_406 = arith.constant 128 : i32
      %mul3A_407 = arith.muli %add3A_386, %mul3A_406 : i32
      %add3A_408 = arith.addi %mul3A_2, %mul3A_407 : i32
      %dma_start3A_409 = arith.constant 2 : i32
      %dma_start3A_410 = arith.constant 0 : i32
      %dma_start3A_411 = arith.constant 0 : i32
      %dma_start3A_412 = tpu.memref_slice %arg6[%dma_start3A_409, %dma_start3A_410, %dma_start3A_411] : memref<10x128x64xf32, #tpu.memory_space<vmem>> -> memref<1x128x64xf32, #tpu.memory_space<vmem>>
      %dma_start3A_413 = tpu.memref_squeeze %dma_start3A_412 : memref<1x128x64xf32, #tpu.memory_space<vmem>> -> memref<128x64xf32, #tpu.memory_space<vmem>>
      %dma_start3A_414 = arith.constant 0 : i32
      %dma_start3A_415 = tpu.memref_slice %arg4[%add3A_408, %dma_start3A_414] : memref<819200x64xf32, #tpu.memory_space<hbm>> -> memref<128x64xf32, #tpu.memory_space<hbm>>
      %dma_start3A_416 = arith.constant 0 : i32
      %dma_start3A_417 = tpu.memref_slice %arg4[%add3A_408, %dma_start3A_416] : memref<819200x64xf32, #tpu.memory_space<hbm>> -> memref<128x64xf32, #tpu.memory_space<hbm>>
      %dma_start3A_418 = arith.constant 0 : i32
      %dma_start3A_419 = arith.constant 0 : i32
      %dma_start3A_420 = tpu.memref_slice %arg6[%dma_start3A_409, %dma_start3A_418, %dma_start3A_419] : memref<10x128x64xf32, #tpu.memory_space<vmem>> -> memref<1x128x64xf32, #tpu.memory_space<vmem>>
      %dma_start3A_421 = tpu.memref_squeeze %dma_start3A_420 : memref<1x128x64xf32, #tpu.memory_space<vmem>> -> memref<128x64xf32, #tpu.memory_space<vmem>>
      tpu.enqueue_dma source(%dma_start3A_421 : memref<128x64xf32, #tpu.memory_space<vmem>>) target(%dma_start3A_417 : memref<128x64xf32, #tpu.memory_space<hbm>>) target_semaphore(%arg8 : memref<!tpu.dma_semaphore, #tpu.memory_space<semaphore_mem>>)
      %ge3A_422 = arith.constant 4 : i32
      %ge3A_423 = arith.cmpi sge, %add3A_386, %ge3A_422 : i32
      %lt3A_424 = arith.constant 200 : i32
      %lt3A_425 = arith.cmpi slt, %sub3A_390, %lt3A_424 : i32
      %and3A_426 = arith.andi %ge3A_423, %lt3A_425 : i1
      %convert_element_type3A_427 = arith.extui %and3A_426 : i1 to i32
      %cond3A_428 = arith.constant 0 : i32
      %cond3A_429 = arith.cmpi ne, %convert_element_type3A_427, %cond3A_428 : i32
      scf.if %cond3A_429 {
        %dma_wait3A_759 = arith.constant 8 : i32
        %dma_wait3A_760 = arith.constant 0 : i32
        %dma_wait3A_761 = arith.constant 0 : i32
        %dma_wait3A_762 = tpu.memref_slice %arg6[%dma_wait3A_759, %dma_wait3A_760, %dma_wait3A_761] : memref<10x128x64xf32, #tpu.memory_space<vmem>> -> memref<1x128x64xf32, #tpu.memory_space<vmem>>
        %dma_wait3A_763 = tpu.memref_squeeze %dma_wait3A_762 : memref<1x128x64xf32, #tpu.memory_space<vmem>> -> memref<128x64xf32, #tpu.memory_space<vmem>>
        %dma_wait3A_764 = arith.constant 0 : i32
        %dma_wait3A_765 = arith.constant 0 : i32
        %dma_wait3A_766 = tpu.memref_slice %arg4[%dma_wait3A_764, %dma_wait3A_765] : memref<819200x64xf32, #tpu.memory_space<hbm>> -> memref<128x64xf32, #tpu.memory_space<hbm>>
        %dma_wait3A_767 = arith.constant 0 : i32
        %dma_wait3A_768 = arith.constant 0 : i32
        %dma_wait3A_769 = tpu.memref_slice %arg6[%dma_wait3A_759, %dma_wait3A_767, %dma_wait3A_768] : memref<10x128x64xf32, #tpu.memory_space<vmem>> -> memref<1x128x64xf32, #tpu.memory_space<vmem>>
        %dma_wait3A_770 = tpu.memref_squeeze %dma_wait3A_769 : memref<1x128x64xf32, #tpu.memory_space<vmem>> -> memref<128x64xf32, #tpu.memory_space<vmem>>
        %dma_wait3A_771 = arith.constant 0 : i32
        %dma_wait3A_772 = arith.constant 0 : i32
        %dma_wait3A_773 = tpu.memref_slice %arg4[%dma_wait3A_771, %dma_wait3A_772] : memref<819200x64xf32, #tpu.memory_space<hbm>> -> memref<128x64xf32, #tpu.memory_space<hbm>>
        tpu.wait_dma2 semaphore(%arg8 : memref<!tpu.dma_semaphore, #tpu.memory_space<semaphore_mem>>) src(%dma_wait3A_773 : memref<128x64xf32, #tpu.memory_space<hbm>>) dst(%dma_wait3A_770 : memref<128x64xf32, #tpu.memory_space<vmem>>)
        %dma_start3A_774 = arith.constant 8 : i32
        %dma_start3A_775 = arith.constant 0 : i32
        %dma_start3A_776 = arith.constant 0 : i32
        %dma_start3A_777 = tpu.memref_slice %arg6[%dma_start3A_774, %dma_start3A_775, %dma_start3A_776] : memref<10x128x64xf32, #tpu.memory_space<vmem>> -> memref<1x128x64xf32, #tpu.memory_space<vmem>>
        %dma_start3A_778 = tpu.memref_squeeze %dma_start3A_777 : memref<1x128x64xf32, #tpu.memory_space<vmem>> -> memref<128x64xf32, #tpu.memory_space<vmem>>
        %dma_start3A_779 = arith.constant 0 : i32
        %dma_start3A_780 = tpu.memref_slice %arg5[%sub3A_390, %dma_start3A_779] : memref<200x128xi32, #tpu.memory_space<vmem>> -> memref<1x128xi32, #tpu.memory_space<vmem>>
        %dma_start3A_781 = tpu.memref_squeeze %dma_start3A_780 : memref<1x128xi32, #tpu.memory_space<vmem>> -> memref<128xi32, #tpu.memory_space<vmem>>
        %dma_start3A_782 = arith.constant 0 : i32
        %dma_start3A_783 = arith.constant 0 : i32
        %dma_start3A_784 = tpu.memref_slice %arg3[%dma_start3A_782, %dma_start3A_783] : memref<1000000x64xf32, #tpu.memory_space<hbm>> -> memref<1000000x64xf32, #tpu.memory_space<hbm>>
        tpu.enqueue_indirect_dma source(%dma_start3A_784 : memref<1000000x64xf32, #tpu.memory_space<hbm>>) target(%dma_start3A_778 : memref<128x64xf32, #tpu.memory_space<vmem>>) offsets(%dma_start3A_781 : memref<128xi32, #tpu.memory_space<vmem>>) semaphore(%arg7 : memref<!tpu.dma_semaphore, #tpu.memory_space<semaphore_mem>>)
      } else {
      }
      %mul3A_430 = arith.constant 10 : i32
      %mul3A_431 = arith.muli %scan3A_290, %mul3A_430 : i32
      %add3A_432 = arith.constant 3 : i32
      %add3A_433 = arith.addi %mul3A_431, %add3A_432 : i32
      %add3A_434 = arith.constant 10 : i32
      %add3A_435 = arith.addi %add3A_433, %add3A_434 : i32
      %sub3A_436 = arith.constant 4 : i32
      %sub3A_437 = arith.subi %add3A_435, %sub3A_436 : i32
      %dma_wait3A_438 = arith.constant 3 : i32
      %dma_wait3A_439 = arith.constant 0 : i32
      %dma_wait3A_440 = arith.constant 0 : i32
      %dma_wait3A_441 = tpu.memref_slice %arg6[%dma_wait3A_438, %dma_wait3A_439, %dma_wait3A_440] : memref<10x128x64xf32, #tpu.memory_space<vmem>> -> memref<1x128x64xf32, #tpu.memory_space<vmem>>
      %dma_wait3A_442 = tpu.memref_squeeze %dma_wait3A_441 : memref<1x128x64xf32, #tpu.memory_space<vmem>> -> memref<128x64xf32, #tpu.memory_space<vmem>>
      %dma_wait3A_443 = arith.constant 0 : i32
      %dma_wait3A_444 = arith.constant 0 : i32
      %dma_wait3A_445 = tpu.memref_slice %arg4[%dma_wait3A_443, %dma_wait3A_444] : memref<819200x64xf32, #tpu.memory_space<hbm>> -> memref<128x64xf32, #tpu.memory_space<hbm>>
      %dma_wait3A_446 = arith.constant 0 : i32
      %dma_wait3A_447 = arith.constant 0 : i32
      %dma_wait3A_448 = tpu.memref_slice %arg6[%dma_wait3A_438, %dma_wait3A_446, %dma_wait3A_447] : memref<10x128x64xf32, #tpu.memory_space<vmem>> -> memref<1x128x64xf32, #tpu.memory_space<vmem>>
      %dma_wait3A_449 = tpu.memref_squeeze %dma_wait3A_448 : memref<1x128x64xf32, #tpu.memory_space<vmem>> -> memref<128x64xf32, #tpu.memory_space<vmem>>
      %dma_wait3A_450 = arith.constant 0 : i32
      %dma_wait3A_451 = arith.constant 0 : i32
      %dma_wait3A_452 = tpu.memref_slice %arg4[%dma_wait3A_450, %dma_wait3A_451] : memref<819200x64xf32, #tpu.memory_space<hbm>> -> memref<128x64xf32, #tpu.memory_space<hbm>>
      tpu.wait_dma2 semaphore(%arg7 : memref<!tpu.dma_semaphore, #tpu.memory_space<semaphore_mem>>) src(%dma_wait3A_452 : memref<128x64xf32, #tpu.memory_space<hbm>>) dst(%dma_wait3A_449 : memref<128x64xf32, #tpu.memory_space<vmem>>)
      %mul3A_453 = arith.constant 128 : i32
      %mul3A_454 = arith.muli %add3A_433, %mul3A_453 : i32
      %add3A_455 = arith.addi %mul3A_2, %mul3A_454 : i32
      %dma_start3A_456 = arith.constant 3 : i32
      %dma_start3A_457 = arith.constant 0 : i32
      %dma_start3A_458 = arith.constant 0 : i32
      %dma_start3A_459 = tpu.memref_slice %arg6[%dma_start3A_456, %dma_start3A_457, %dma_start3A_458] : memref<10x128x64xf32, #tpu.memory_space<vmem>> -> memref<1x128x64xf32, #tpu.memory_space<vmem>>
      %dma_start3A_460 = tpu.memref_squeeze %dma_start3A_459 : memref<1x128x64xf32, #tpu.memory_space<vmem>> -> memref<128x64xf32, #tpu.memory_space<vmem>>
      %dma_start3A_461 = arith.constant 0 : i32
      %dma_start3A_462 = tpu.memref_slice %arg4[%add3A_455, %dma_start3A_461] : memref<819200x64xf32, #tpu.memory_space<hbm>> -> memref<128x64xf32, #tpu.memory_space<hbm>>
      %dma_start3A_463 = arith.constant 0 : i32
      %dma_start3A_464 = tpu.memref_slice %arg4[%add3A_455, %dma_start3A_463] : memref<819200x64xf32, #tpu.memory_space<hbm>> -> memref<128x64xf32, #tpu.memory_space<hbm>>
      %dma_start3A_465 = arith.constant 0 : i32
      %dma_start3A_466 = arith.constant 0 : i32
      %dma_start3A_467 = tpu.memref_slice %arg6[%dma_start3A_456, %dma_start3A_465, %dma_start3A_466] : memref<10x128x64xf32, #tpu.memory_space<vmem>> -> memref<1x128x64xf32, #tpu.memory_space<vmem>>
      %dma_start3A_468 = tpu.memref_squeeze %dma_start3A_467 : memref<1x128x64xf32, #tpu.memory_space<vmem>> -> memref<128x64xf32, #tpu.memory_space<vmem>>
      tpu.enqueue_dma source(%dma_start3A_468 : memref<128x64xf32, #tpu.memory_space<vmem>>) target(%dma_start3A_464 : memref<128x64xf32, #tpu.memory_space<hbm>>) target_semaphore(%arg8 : memref<!tpu.dma_semaphore, #tpu.memory_space<semaphore_mem>>)
      %ge3A_469 = arith.constant 4 : i32
      %ge3A_470 = arith.cmpi sge, %add3A_433, %ge3A_469 : i32
      %lt3A_471 = arith.constant 200 : i32
      %lt3A_472 = arith.cmpi slt, %sub3A_437, %lt3A_471 : i32
      %and3A_473 = arith.andi %ge3A_470, %lt3A_472 : i1
      %convert_element_type3A_474 = arith.extui %and3A_473 : i1 to i32
      %cond3A_475 = arith.constant 0 : i32
      %cond3A_476 = arith.cmpi ne, %convert_element_type3A_474, %cond3A_475 : i32
      scf.if %cond3A_476 {
        %dma_wait3A_759 = arith.constant 9 : i32
        %dma_wait3A_760 = arith.constant 0 : i32
        %dma_wait3A_761 = arith.constant 0 : i32
        %dma_wait3A_762 = tpu.memref_slice %arg6[%dma_wait3A_759, %dma_wait3A_760, %dma_wait3A_761] : memref<10x128x64xf32, #tpu.memory_space<vmem>> -> memref<1x128x64xf32, #tpu.memory_space<vmem>>
        %dma_wait3A_763 = tpu.memref_squeeze %dma_wait3A_762 : memref<1x128x64xf32, #tpu.memory_space<vmem>> -> memref<128x64xf32, #tpu.memory_space<vmem>>
        %dma_wait3A_764 = arith.constant 0 : i32
        %dma_wait3A_765 = arith.constant 0 : i32
        %dma_wait3A_766 = tpu.memref_slice %arg4[%dma_wait3A_764, %dma_wait3A_765] : memref<819200x64xf32, #tpu.memory_space<hbm>> -> memref<128x64xf32, #tpu.memory_space<hbm>>
        %dma_wait3A_767 = arith.constant 0 : i32
        %dma_wait3A_768 = arith.constant 0 : i32
        %dma_wait3A_769 = tpu.memref_slice %arg6[%dma_wait3A_759, %dma_wait3A_767, %dma_wait3A_768] : memref<10x128x64xf32, #tpu.memory_space<vmem>> -> memref<1x128x64xf32, #tpu.memory_space<vmem>>
        %dma_wait3A_770 = tpu.memref_squeeze %dma_wait3A_769 : memref<1x128x64xf32, #tpu.memory_space<vmem>> -> memref<128x64xf32, #tpu.memory_space<vmem>>
        %dma_wait3A_771 = arith.constant 0 : i32
        %dma_wait3A_772 = arith.constant 0 : i32
        %dma_wait3A_773 = tpu.memref_slice %arg4[%dma_wait3A_771, %dma_wait3A_772] : memref<819200x64xf32, #tpu.memory_space<hbm>> -> memref<128x64xf32, #tpu.memory_space<hbm>>
        tpu.wait_dma2 semaphore(%arg8 : memref<!tpu.dma_semaphore, #tpu.memory_space<semaphore_mem>>) src(%dma_wait3A_773 : memref<128x64xf32, #tpu.memory_space<hbm>>) dst(%dma_wait3A_770 : memref<128x64xf32, #tpu.memory_space<vmem>>)
        %dma_start3A_774 = arith.constant 9 : i32
        %dma_start3A_775 = arith.constant 0 : i32
        %dma_start3A_776 = arith.constant 0 : i32
        %dma_start3A_777 = tpu.memref_slice %arg6[%dma_start3A_774, %dma_start3A_775, %dma_start3A_776] : memref<10x128x64xf32, #tpu.memory_space<vmem>> -> memref<1x128x64xf32, #tpu.memory_space<vmem>>
        %dma_start3A_778 = tpu.memref_squeeze %dma_start3A_777 : memref<1x128x64xf32, #tpu.memory_space<vmem>> -> memref<128x64xf32, #tpu.memory_space<vmem>>
        %dma_start3A_779 = arith.constant 0 : i32
        %dma_start3A_780 = tpu.memref_slice %arg5[%sub3A_437, %dma_start3A_779] : memref<200x128xi32, #tpu.memory_space<vmem>> -> memref<1x128xi32, #tpu.memory_space<vmem>>
        %dma_start3A_781 = tpu.memref_squeeze %dma_start3A_780 : memref<1x128xi32, #tpu.memory_space<vmem>> -> memref<128xi32, #tpu.memory_space<vmem>>
        %dma_start3A_782 = arith.constant 0 : i32
        %dma_start3A_783 = arith.constant 0 : i32
        %dma_start3A_784 = tpu.memref_slice %arg3[%dma_start3A_782, %dma_start3A_783] : memref<1000000x64xf32, #tpu.memory_space<hbm>> -> memref<1000000x64xf32, #tpu.memory_space<hbm>>
        tpu.enqueue_indirect_dma source(%dma_start3A_784 : memref<1000000x64xf32, #tpu.memory_space<hbm>>) target(%dma_start3A_778 : memref<128x64xf32, #tpu.memory_space<vmem>>) offsets(%dma_start3A_781 : memref<128xi32, #tpu.memory_space<vmem>>) semaphore(%arg7 : memref<!tpu.dma_semaphore, #tpu.memory_space<semaphore_mem>>)
      } else {
      }
      %mul3A_477 = arith.constant 10 : i32
      %mul3A_478 = arith.muli %scan3A_290, %mul3A_477 : i32
      %add3A_479 = arith.constant 4 : i32
      %add3A_480 = arith.addi %mul3A_478, %add3A_479 : i32
      %add3A_481 = arith.constant 10 : i32
      %add3A_482 = arith.addi %add3A_480, %add3A_481 : i32
      %sub3A_483 = arith.constant 4 : i32
      %sub3A_484 = arith.subi %add3A_482, %sub3A_483 : i32
      %dma_wait3A_485 = arith.constant 4 : i32
      %dma_wait3A_486 = arith.constant 0 : i32
      %dma_wait3A_487 = arith.constant 0 : i32
      %dma_wait3A_488 = tpu.memref_slice %arg6[%dma_wait3A_485, %dma_wait3A_486, %dma_wait3A_487] : memref<10x128x64xf32, #tpu.memory_space<vmem>> -> memref<1x128x64xf32, #tpu.memory_space<vmem>>
      %dma_wait3A_489 = tpu.memref_squeeze %dma_wait3A_488 : memref<1x128x64xf32, #tpu.memory_space<vmem>> -> memref<128x64xf32, #tpu.memory_space<vmem>>
      %dma_wait3A_490 = arith.constant 0 : i32
      %dma_wait3A_491 = arith.constant 0 : i32
      %dma_wait3A_492 = tpu.memref_slice %arg4[%dma_wait3A_490, %dma_wait3A_491] : memref<819200x64xf32, #tpu.memory_space<hbm>> -> memref<128x64xf32, #tpu.memory_space<hbm>>
      %dma_wait3A_493 = arith.constant 0 : i32
      %dma_wait3A_494 = arith.constant 0 : i32
      %dma_wait3A_495 = tpu.memref_slice %arg6[%dma_wait3A_485, %dma_wait3A_493, %dma_wait3A_494] : memref<10x128x64xf32, #tpu.memory_space<vmem>> -> memref<1x128x64xf32, #tpu.memory_space<vmem>>
      %dma_wait3A_496 = tpu.memref_squeeze %dma_wait3A_495 : memref<1x128x64xf32, #tpu.memory_space<vmem>> -> memref<128x64xf32, #tpu.memory_space<vmem>>
      %dma_wait3A_497 = arith.constant 0 : i32
      %dma_wait3A_498 = arith.constant 0 : i32
      %dma_wait3A_499 = tpu.memref_slice %arg4[%dma_wait3A_497, %dma_wait3A_498] : memref<819200x64xf32, #tpu.memory_space<hbm>> -> memref<128x64xf32, #tpu.memory_space<hbm>>
      tpu.wait_dma2 semaphore(%arg7 : memref<!tpu.dma_semaphore, #tpu.memory_space<semaphore_mem>>) src(%dma_wait3A_499 : memref<128x64xf32, #tpu.memory_space<hbm>>) dst(%dma_wait3A_496 : memref<128x64xf32, #tpu.memory_space<vmem>>)
      %mul3A_500 = arith.constant 128 : i32
      %mul3A_501 = arith.muli %add3A_480, %mul3A_500 : i32
      %add3A_502 = arith.addi %mul3A_2, %mul3A_501 : i32
      %dma_start3A_503 = arith.constant 4 : i32
      %dma_start3A_504 = arith.constant 0 : i32
      %dma_start3A_505 = arith.constant 0 : i32
      %dma_start3A_506 = tpu.memref_slice %arg6[%dma_start3A_503, %dma_start3A_504, %dma_start3A_505] : memref<10x128x64xf32, #tpu.memory_space<vmem>> -> memref<1x128x64xf32, #tpu.memory_space<vmem>>
      %dma_start3A_507 = tpu.memref_squeeze %dma_start3A_506 : memref<1x128x64xf32, #tpu.memory_space<vmem>> -> memref<128x64xf32, #tpu.memory_space<vmem>>
      %dma_start3A_508 = arith.constant 0 : i32
      %dma_start3A_509 = tpu.memref_slice %arg4[%add3A_502, %dma_start3A_508] : memref<819200x64xf32, #tpu.memory_space<hbm>> -> memref<128x64xf32, #tpu.memory_space<hbm>>
      %dma_start3A_510 = arith.constant 0 : i32
      %dma_start3A_511 = tpu.memref_slice %arg4[%add3A_502, %dma_start3A_510] : memref<819200x64xf32, #tpu.memory_space<hbm>> -> memref<128x64xf32, #tpu.memory_space<hbm>>
      %dma_start3A_512 = arith.constant 0 : i32
      %dma_start3A_513 = arith.constant 0 : i32
      %dma_start3A_514 = tpu.memref_slice %arg6[%dma_start3A_503, %dma_start3A_512, %dma_start3A_513] : memref<10x128x64xf32, #tpu.memory_space<vmem>> -> memref<1x128x64xf32, #tpu.memory_space<vmem>>
      %dma_start3A_515 = tpu.memref_squeeze %dma_start3A_514 : memref<1x128x64xf32, #tpu.memory_space<vmem>> -> memref<128x64xf32, #tpu.memory_space<vmem>>
      tpu.enqueue_dma source(%dma_start3A_515 : memref<128x64xf32, #tpu.memory_space<vmem>>) target(%dma_start3A_511 : memref<128x64xf32, #tpu.memory_space<hbm>>) target_semaphore(%arg8 : memref<!tpu.dma_semaphore, #tpu.memory_space<semaphore_mem>>)
      %ge3A_516 = arith.constant 4 : i32
      %ge3A_517 = arith.cmpi sge, %add3A_480, %ge3A_516 : i32
      %lt3A_518 = arith.constant 200 : i32
      %lt3A_519 = arith.cmpi slt, %sub3A_484, %lt3A_518 : i32
      %and3A_520 = arith.andi %ge3A_517, %lt3A_519 : i1
      %convert_element_type3A_521 = arith.extui %and3A_520 : i1 to i32
      %cond3A_522 = arith.constant 0 : i32
      %cond3A_523 = arith.cmpi ne, %convert_element_type3A_521, %cond3A_522 : i32
      scf.if %cond3A_523 {
        %dma_wait3A_759 = arith.constant 0 : i32
        %dma_wait3A_760 = arith.constant 0 : i32
        %dma_wait3A_761 = arith.constant 0 : i32
        %dma_wait3A_762 = tpu.memref_slice %arg6[%dma_wait3A_759, %dma_wait3A_760, %dma_wait3A_761] : memref<10x128x64xf32, #tpu.memory_space<vmem>> -> memref<1x128x64xf32, #tpu.memory_space<vmem>>
        %dma_wait3A_763 = tpu.memref_squeeze %dma_wait3A_762 : memref<1x128x64xf32, #tpu.memory_space<vmem>> -> memref<128x64xf32, #tpu.memory_space<vmem>>
        %dma_wait3A_764 = arith.constant 0 : i32
        %dma_wait3A_765 = arith.constant 0 : i32
        %dma_wait3A_766 = tpu.memref_slice %arg4[%dma_wait3A_764, %dma_wait3A_765] : memref<819200x64xf32, #tpu.memory_space<hbm>> -> memref<128x64xf32, #tpu.memory_space<hbm>>
        %dma_wait3A_767 = arith.constant 0 : i32
        %dma_wait3A_768 = arith.constant 0 : i32
        %dma_wait3A_769 = tpu.memref_slice %arg6[%dma_wait3A_759, %dma_wait3A_767, %dma_wait3A_768] : memref<10x128x64xf32, #tpu.memory_space<vmem>> -> memref<1x128x64xf32, #tpu.memory_space<vmem>>
        %dma_wait3A_770 = tpu.memref_squeeze %dma_wait3A_769 : memref<1x128x64xf32, #tpu.memory_space<vmem>> -> memref<128x64xf32, #tpu.memory_space<vmem>>
        %dma_wait3A_771 = arith.constant 0 : i32
        %dma_wait3A_772 = arith.constant 0 : i32
        %dma_wait3A_773 = tpu.memref_slice %arg4[%dma_wait3A_771, %dma_wait3A_772] : memref<819200x64xf32, #tpu.memory_space<hbm>> -> memref<128x64xf32, #tpu.memory_space<hbm>>
        tpu.wait_dma2 semaphore(%arg8 : memref<!tpu.dma_semaphore, #tpu.memory_space<semaphore_mem>>) src(%dma_wait3A_773 : memref<128x64xf32, #tpu.memory_space<hbm>>) dst(%dma_wait3A_770 : memref<128x64xf32, #tpu.memory_space<vmem>>)
        %dma_start3A_774 = arith.constant 0 : i32
        %dma_start3A_775 = arith.constant 0 : i32
        %dma_start3A_776 = arith.constant 0 : i32
        %dma_start3A_777 = tpu.memref_slice %arg6[%dma_start3A_774, %dma_start3A_775, %dma_start3A_776] : memref<10x128x64xf32, #tpu.memory_space<vmem>> -> memref<1x128x64xf32, #tpu.memory_space<vmem>>
        %dma_start3A_778 = tpu.memref_squeeze %dma_start3A_777 : memref<1x128x64xf32, #tpu.memory_space<vmem>> -> memref<128x64xf32, #tpu.memory_space<vmem>>
        %dma_start3A_779 = arith.constant 0 : i32
        %dma_start3A_780 = tpu.memref_slice %arg5[%sub3A_484, %dma_start3A_779] : memref<200x128xi32, #tpu.memory_space<vmem>> -> memref<1x128xi32, #tpu.memory_space<vmem>>
        %dma_start3A_781 = tpu.memref_squeeze %dma_start3A_780 : memref<1x128xi32, #tpu.memory_space<vmem>> -> memref<128xi32, #tpu.memory_space<vmem>>
        %dma_start3A_782 = arith.constant 0 : i32
        %dma_start3A_783 = arith.constant 0 : i32
        %dma_start3A_784 = tpu.memref_slice %arg3[%dma_start3A_782, %dma_start3A_783] : memref<1000000x64xf32, #tpu.memory_space<hbm>> -> memref<1000000x64xf32, #tpu.memory_space<hbm>>
        tpu.enqueue_indirect_dma source(%dma_start3A_784 : memref<1000000x64xf32, #tpu.memory_space<hbm>>) target(%dma_start3A_778 : memref<128x64xf32, #tpu.memory_space<vmem>>) offsets(%dma_start3A_781 : memref<128xi32, #tpu.memory_space<vmem>>) semaphore(%arg7 : memref<!tpu.dma_semaphore, #tpu.memory_space<semaphore_mem>>)
      } else {
      }
      %mul3A_524 = arith.constant 10 : i32
      %mul3A_525 = arith.muli %scan3A_290, %mul3A_524 : i32
      %add3A_526 = arith.constant 5 : i32
      %add3A_527 = arith.addi %mul3A_525, %add3A_526 : i32
      %add3A_528 = arith.constant 10 : i32
      %add3A_529 = arith.addi %add3A_527, %add3A_528 : i32
      %sub3A_530 = arith.constant 4 : i32
      %sub3A_531 = arith.subi %add3A_529, %sub3A_530 : i32
      %dma_wait3A_532 = arith.constant 5 : i32
      %dma_wait3A_533 = arith.constant 0 : i32
      %dma_wait3A_534 = arith.constant 0 : i32
      %dma_wait3A_535 = tpu.memref_slice %arg6[%dma_wait3A_532, %dma_wait3A_533, %dma_wait3A_534] : memref<10x128x64xf32, #tpu.memory_space<vmem>> -> memref<1x128x64xf32, #tpu.memory_space<vmem>>
      %dma_wait3A_536 = tpu.memref_squeeze %dma_wait3A_535 : memref<1x128x64xf32, #tpu.memory_space<vmem>> -> memref<128x64xf32, #tpu.memory_space<vmem>>
      %dma_wait3A_537 = arith.constant 0 : i32
      %dma_wait3A_538 = arith.constant 0 : i32
      %dma_wait3A_539 = tpu.memref_slice %arg4[%dma_wait3A_537, %dma_wait3A_538] : memref<819200x64xf32, #tpu.memory_space<hbm>> -> memref<128x64xf32, #tpu.memory_space<hbm>>
      %dma_wait3A_540 = arith.constant 0 : i32
      %dma_wait3A_541 = arith.constant 0 : i32
      %dma_wait3A_542 = tpu.memref_slice %arg6[%dma_wait3A_532, %dma_wait3A_540, %dma_wait3A_541] : memref<10x128x64xf32, #tpu.memory_space<vmem>> -> memref<1x128x64xf32, #tpu.memory_space<vmem>>
      %dma_wait3A_543 = tpu.memref_squeeze %dma_wait3A_542 : memref<1x128x64xf32, #tpu.memory_space<vmem>> -> memref<128x64xf32, #tpu.memory_space<vmem>>
      %dma_wait3A_544 = arith.constant 0 : i32
      %dma_wait3A_545 = arith.constant 0 : i32
      %dma_wait3A_546 = tpu.memref_slice %arg4[%dma_wait3A_544, %dma_wait3A_545] : memref<819200x64xf32, #tpu.memory_space<hbm>> -> memref<128x64xf32, #tpu.memory_space<hbm>>
      tpu.wait_dma2 semaphore(%arg7 : memref<!tpu.dma_semaphore, #tpu.memory_space<semaphore_mem>>) src(%dma_wait3A_546 : memref<128x64xf32, #tpu.memory_space<hbm>>) dst(%dma_wait3A_543 : memref<128x64xf32, #tpu.memory_space<vmem>>)
      %mul3A_547 = arith.constant 128 : i32
      %mul3A_548 = arith.muli %add3A_527, %mul3A_547 : i32
      %add3A_549 = arith.addi %mul3A_2, %mul3A_548 : i32
      %dma_start3A_550 = arith.constant 5 : i32
      %dma_start3A_551 = arith.constant 0 : i32
      %dma_start3A_552 = arith.constant 0 : i32
      %dma_start3A_553 = tpu.memref_slice %arg6[%dma_start3A_550, %dma_start3A_551, %dma_start3A_552] : memref<10x128x64xf32, #tpu.memory_space<vmem>> -> memref<1x128x64xf32, #tpu.memory_space<vmem>>
      %dma_start3A_554 = tpu.memref_squeeze %dma_start3A_553 : memref<1x128x64xf32, #tpu.memory_space<vmem>> -> memref<128x64xf32, #tpu.memory_space<vmem>>
      %dma_start3A_555 = arith.constant 0 : i32
      %dma_start3A_556 = tpu.memref_slice %arg4[%add3A_549, %dma_start3A_555] : memref<819200x64xf32, #tpu.memory_space<hbm>> -> memref<128x64xf32, #tpu.memory_space<hbm>>
      %dma_start3A_557 = arith.constant 0 : i32
      %dma_start3A_558 = tpu.memref_slice %arg4[%add3A_549, %dma_start3A_557] : memref<819200x64xf32, #tpu.memory_space<hbm>> -> memref<128x64xf32, #tpu.memory_space<hbm>>
      %dma_start3A_559 = arith.constant 0 : i32
      %dma_start3A_560 = arith.constant 0 : i32
      %dma_start3A_561 = tpu.memref_slice %arg6[%dma_start3A_550, %dma_start3A_559, %dma_start3A_560] : memref<10x128x64xf32, #tpu.memory_space<vmem>> -> memref<1x128x64xf32, #tpu.memory_space<vmem>>
      %dma_start3A_562 = tpu.memref_squeeze %dma_start3A_561 : memref<1x128x64xf32, #tpu.memory_space<vmem>> -> memref<128x64xf32, #tpu.memory_space<vmem>>
      tpu.enqueue_dma source(%dma_start3A_562 : memref<128x64xf32, #tpu.memory_space<vmem>>) target(%dma_start3A_558 : memref<128x64xf32, #tpu.memory_space<hbm>>) target_semaphore(%arg8 : memref<!tpu.dma_semaphore, #tpu.memory_space<semaphore_mem>>)
      %ge3A_563 = arith.constant 4 : i32
      %ge3A_564 = arith.cmpi sge, %add3A_527, %ge3A_563 : i32
      %lt3A_565 = arith.constant 200 : i32
      %lt3A_566 = arith.cmpi slt, %sub3A_531, %lt3A_565 : i32
      %and3A_567 = arith.andi %ge3A_564, %lt3A_566 : i1
      %convert_element_type3A_568 = arith.extui %and3A_567 : i1 to i32
      %cond3A_569 = arith.constant 0 : i32
      %cond3A_570 = arith.cmpi ne, %convert_element_type3A_568, %cond3A_569 : i32
      scf.if %cond3A_570 {
        %dma_wait3A_759 = arith.constant 1 : i32
        %dma_wait3A_760 = arith.constant 0 : i32
        %dma_wait3A_761 = arith.constant 0 : i32
        %dma_wait3A_762 = tpu.memref_slice %arg6[%dma_wait3A_759, %dma_wait3A_760, %dma_wait3A_761] : memref<10x128x64xf32, #tpu.memory_space<vmem>> -> memref<1x128x64xf32, #tpu.memory_space<vmem>>
        %dma_wait3A_763 = tpu.memref_squeeze %dma_wait3A_762 : memref<1x128x64xf32, #tpu.memory_space<vmem>> -> memref<128x64xf32, #tpu.memory_space<vmem>>
        %dma_wait3A_764 = arith.constant 0 : i32
        %dma_wait3A_765 = arith.constant 0 : i32
        %dma_wait3A_766 = tpu.memref_slice %arg4[%dma_wait3A_764, %dma_wait3A_765] : memref<819200x64xf32, #tpu.memory_space<hbm>> -> memref<128x64xf32, #tpu.memory_space<hbm>>
        %dma_wait3A_767 = arith.constant 0 : i32
        %dma_wait3A_768 = arith.constant 0 : i32
        %dma_wait3A_769 = tpu.memref_slice %arg6[%dma_wait3A_759, %dma_wait3A_767, %dma_wait3A_768] : memref<10x128x64xf32, #tpu.memory_space<vmem>> -> memref<1x128x64xf32, #tpu.memory_space<vmem>>
        %dma_wait3A_770 = tpu.memref_squeeze %dma_wait3A_769 : memref<1x128x64xf32, #tpu.memory_space<vmem>> -> memref<128x64xf32, #tpu.memory_space<vmem>>
        %dma_wait3A_771 = arith.constant 0 : i32
        %dma_wait3A_772 = arith.constant 0 : i32
        %dma_wait3A_773 = tpu.memref_slice %arg4[%dma_wait3A_771, %dma_wait3A_772] : memref<819200x64xf32, #tpu.memory_space<hbm>> -> memref<128x64xf32, #tpu.memory_space<hbm>>
        tpu.wait_dma2 semaphore(%arg8 : memref<!tpu.dma_semaphore, #tpu.memory_space<semaphore_mem>>) src(%dma_wait3A_773 : memref<128x64xf32, #tpu.memory_space<hbm>>) dst(%dma_wait3A_770 : memref<128x64xf32, #tpu.memory_space<vmem>>)
        %dma_start3A_774 = arith.constant 1 : i32
        %dma_start3A_775 = arith.constant 0 : i32
        %dma_start3A_776 = arith.constant 0 : i32
        %dma_start3A_777 = tpu.memref_slice %arg6[%dma_start3A_774, %dma_start3A_775, %dma_start3A_776] : memref<10x128x64xf32, #tpu.memory_space<vmem>> -> memref<1x128x64xf32, #tpu.memory_space<vmem>>
        %dma_start3A_778 = tpu.memref_squeeze %dma_start3A_777 : memref<1x128x64xf32, #tpu.memory_space<vmem>> -> memref<128x64xf32, #tpu.memory_space<vmem>>
        %dma_start3A_779 = arith.constant 0 : i32
        %dma_start3A_780 = tpu.memref_slice %arg5[%sub3A_531, %dma_start3A_779] : memref<200x128xi32, #tpu.memory_space<vmem>> -> memref<1x128xi32, #tpu.memory_space<vmem>>
        %dma_start3A_781 = tpu.memref_squeeze %dma_start3A_780 : memref<1x128xi32, #tpu.memory_space<vmem>> -> memref<128xi32, #tpu.memory_space<vmem>>
        %dma_start3A_782 = arith.constant 0 : i32
        %dma_start3A_783 = arith.constant 0 : i32
        %dma_start3A_784 = tpu.memref_slice %arg3[%dma_start3A_782, %dma_start3A_783] : memref<1000000x64xf32, #tpu.memory_space<hbm>> -> memref<1000000x64xf32, #tpu.memory_space<hbm>>
        tpu.enqueue_indirect_dma source(%dma_start3A_784 : memref<1000000x64xf32, #tpu.memory_space<hbm>>) target(%dma_start3A_778 : memref<128x64xf32, #tpu.memory_space<vmem>>) offsets(%dma_start3A_781 : memref<128xi32, #tpu.memory_space<vmem>>) semaphore(%arg7 : memref<!tpu.dma_semaphore, #tpu.memory_space<semaphore_mem>>)
      } else {
      }
      %mul3A_571 = arith.constant 10 : i32
      %mul3A_572 = arith.muli %scan3A_290, %mul3A_571 : i32
      %add3A_573 = arith.constant 6 : i32
      %add3A_574 = arith.addi %mul3A_572, %add3A_573 : i32
      %add3A_575 = arith.constant 10 : i32
      %add3A_576 = arith.addi %add3A_574, %add3A_575 : i32
      %sub3A_577 = arith.constant 4 : i32
      %sub3A_578 = arith.subi %add3A_576, %sub3A_577 : i32
      %dma_wait3A_579 = arith.constant 6 : i32
      %dma_wait3A_580 = arith.constant 0 : i32
      %dma_wait3A_581 = arith.constant 0 : i32
      %dma_wait3A_582 = tpu.memref_slice %arg6[%dma_wait3A_579, %dma_wait3A_580, %dma_wait3A_581] : memref<10x128x64xf32, #tpu.memory_space<vmem>> -> memref<1x128x64xf32, #tpu.memory_space<vmem>>
      %dma_wait3A_583 = tpu.memref_squeeze %dma_wait3A_582 : memref<1x128x64xf32, #tpu.memory_space<vmem>> -> memref<128x64xf32, #tpu.memory_space<vmem>>
      %dma_wait3A_584 = arith.constant 0 : i32
      %dma_wait3A_585 = arith.constant 0 : i32
      %dma_wait3A_586 = tpu.memref_slice %arg4[%dma_wait3A_584, %dma_wait3A_585] : memref<819200x64xf32, #tpu.memory_space<hbm>> -> memref<128x64xf32, #tpu.memory_space<hbm>>
      %dma_wait3A_587 = arith.constant 0 : i32
      %dma_wait3A_588 = arith.constant 0 : i32
      %dma_wait3A_589 = tpu.memref_slice %arg6[%dma_wait3A_579, %dma_wait3A_587, %dma_wait3A_588] : memref<10x128x64xf32, #tpu.memory_space<vmem>> -> memref<1x128x64xf32, #tpu.memory_space<vmem>>
      %dma_wait3A_590 = tpu.memref_squeeze %dma_wait3A_589 : memref<1x128x64xf32, #tpu.memory_space<vmem>> -> memref<128x64xf32, #tpu.memory_space<vmem>>
      %dma_wait3A_591 = arith.constant 0 : i32
      %dma_wait3A_592 = arith.constant 0 : i32
      %dma_wait3A_593 = tpu.memref_slice %arg4[%dma_wait3A_591, %dma_wait3A_592] : memref<819200x64xf32, #tpu.memory_space<hbm>> -> memref<128x64xf32, #tpu.memory_space<hbm>>
      tpu.wait_dma2 semaphore(%arg7 : memref<!tpu.dma_semaphore, #tpu.memory_space<semaphore_mem>>) src(%dma_wait3A_593 : memref<128x64xf32, #tpu.memory_space<hbm>>) dst(%dma_wait3A_590 : memref<128x64xf32, #tpu.memory_space<vmem>>)
      %mul3A_594 = arith.constant 128 : i32
      %mul3A_595 = arith.muli %add3A_574, %mul3A_594 : i32
      %add3A_596 = arith.addi %mul3A_2, %mul3A_595 : i32
      %dma_start3A_597 = arith.constant 6 : i32
      %dma_start3A_598 = arith.constant 0 : i32
      %dma_start3A_599 = arith.constant 0 : i32
      %dma_start3A_600 = tpu.memref_slice %arg6[%dma_start3A_597, %dma_start3A_598, %dma_start3A_599] : memref<10x128x64xf32, #tpu.memory_space<vmem>> -> memref<1x128x64xf32, #tpu.memory_space<vmem>>
      %dma_start3A_601 = tpu.memref_squeeze %dma_start3A_600 : memref<1x128x64xf32, #tpu.memory_space<vmem>> -> memref<128x64xf32, #tpu.memory_space<vmem>>
      %dma_start3A_602 = arith.constant 0 : i32
      %dma_start3A_603 = tpu.memref_slice %arg4[%add3A_596, %dma_start3A_602] : memref<819200x64xf32, #tpu.memory_space<hbm>> -> memref<128x64xf32, #tpu.memory_space<hbm>>
      %dma_start3A_604 = arith.constant 0 : i32
      %dma_start3A_605 = tpu.memref_slice %arg4[%add3A_596, %dma_start3A_604] : memref<819200x64xf32, #tpu.memory_space<hbm>> -> memref<128x64xf32, #tpu.memory_space<hbm>>
      %dma_start3A_606 = arith.constant 0 : i32
      %dma_start3A_607 = arith.constant 0 : i32
      %dma_start3A_608 = tpu.memref_slice %arg6[%dma_start3A_597, %dma_start3A_606, %dma_start3A_607] : memref<10x128x64xf32, #tpu.memory_space<vmem>> -> memref<1x128x64xf32, #tpu.memory_space<vmem>>
      %dma_start3A_609 = tpu.memref_squeeze %dma_start3A_608 : memref<1x128x64xf32, #tpu.memory_space<vmem>> -> memref<128x64xf32, #tpu.memory_space<vmem>>
      tpu.enqueue_dma source(%dma_start3A_609 : memref<128x64xf32, #tpu.memory_space<vmem>>) target(%dma_start3A_605 : memref<128x64xf32, #tpu.memory_space<hbm>>) target_semaphore(%arg8 : memref<!tpu.dma_semaphore, #tpu.memory_space<semaphore_mem>>)
      %ge3A_610 = arith.constant 4 : i32
      %ge3A_611 = arith.cmpi sge, %add3A_574, %ge3A_610 : i32
      %lt3A_612 = arith.constant 200 : i32
      %lt3A_613 = arith.cmpi slt, %sub3A_578, %lt3A_612 : i32
      %and3A_614 = arith.andi %ge3A_611, %lt3A_613 : i1
      %convert_element_type3A_615 = arith.extui %and3A_614 : i1 to i32
      %cond3A_616 = arith.constant 0 : i32
      %cond3A_617 = arith.cmpi ne, %convert_element_type3A_615, %cond3A_616 : i32
      scf.if %cond3A_617 {
        %dma_wait3A_759 = arith.constant 2 : i32
        %dma_wait3A_760 = arith.constant 0 : i32
        %dma_wait3A_761 = arith.constant 0 : i32
        %dma_wait3A_762 = tpu.memref_slice %arg6[%dma_wait3A_759, %dma_wait3A_760, %dma_wait3A_761] : memref<10x128x64xf32, #tpu.memory_space<vmem>> -> memref<1x128x64xf32, #tpu.memory_space<vmem>>
        %dma_wait3A_763 = tpu.memref_squeeze %dma_wait3A_762 : memref<1x128x64xf32, #tpu.memory_space<vmem>> -> memref<128x64xf32, #tpu.memory_space<vmem>>
        %dma_wait3A_764 = arith.constant 0 : i32
        %dma_wait3A_765 = arith.constant 0 : i32
        %dma_wait3A_766 = tpu.memref_slice %arg4[%dma_wait3A_764, %dma_wait3A_765] : memref<819200x64xf32, #tpu.memory_space<hbm>> -> memref<128x64xf32, #tpu.memory_space<hbm>>
        %dma_wait3A_767 = arith.constant 0 : i32
        %dma_wait3A_768 = arith.constant 0 : i32
        %dma_wait3A_769 = tpu.memref_slice %arg6[%dma_wait3A_759, %dma_wait3A_767, %dma_wait3A_768] : memref<10x128x64xf32, #tpu.memory_space<vmem>> -> memref<1x128x64xf32, #tpu.memory_space<vmem>>
        %dma_wait3A_770 = tpu.memref_squeeze %dma_wait3A_769 : memref<1x128x64xf32, #tpu.memory_space<vmem>> -> memref<128x64xf32, #tpu.memory_space<vmem>>
        %dma_wait3A_771 = arith.constant 0 : i32
        %dma_wait3A_772 = arith.constant 0 : i32
        %dma_wait3A_773 = tpu.memref_slice %arg4[%dma_wait3A_771, %dma_wait3A_772] : memref<819200x64xf32, #tpu.memory_space<hbm>> -> memref<128x64xf32, #tpu.memory_space<hbm>>
        tpu.wait_dma2 semaphore(%arg8 : memref<!tpu.dma_semaphore, #tpu.memory_space<semaphore_mem>>) src(%dma_wait3A_773 : memref<128x64xf32, #tpu.memory_space<hbm>>) dst(%dma_wait3A_770 : memref<128x64xf32, #tpu.memory_space<vmem>>)
        %dma_start3A_774 = arith.constant 2 : i32
        %dma_start3A_775 = arith.constant 0 : i32
        %dma_start3A_776 = arith.constant 0 : i32
        %dma_start3A_777 = tpu.memref_slice %arg6[%dma_start3A_774, %dma_start3A_775, %dma_start3A_776] : memref<10x128x64xf32, #tpu.memory_space<vmem>> -> memref<1x128x64xf32, #tpu.memory_space<vmem>>
        %dma_start3A_778 = tpu.memref_squeeze %dma_start3A_777 : memref<1x128x64xf32, #tpu.memory_space<vmem>> -> memref<128x64xf32, #tpu.memory_space<vmem>>
        %dma_start3A_779 = arith.constant 0 : i32
        %dma_start3A_780 = tpu.memref_slice %arg5[%sub3A_578, %dma_start3A_779] : memref<200x128xi32, #tpu.memory_space<vmem>> -> memref<1x128xi32, #tpu.memory_space<vmem>>
        %dma_start3A_781 = tpu.memref_squeeze %dma_start3A_780 : memref<1x128xi32, #tpu.memory_space<vmem>> -> memref<128xi32, #tpu.memory_space<vmem>>
        %dma_start3A_782 = arith.constant 0 : i32
        %dma_start3A_783 = arith.constant 0 : i32
        %dma_start3A_784 = tpu.memref_slice %arg3[%dma_start3A_782, %dma_start3A_783] : memref<1000000x64xf32, #tpu.memory_space<hbm>> -> memref<1000000x64xf32, #tpu.memory_space<hbm>>
        tpu.enqueue_indirect_dma source(%dma_start3A_784 : memref<1000000x64xf32, #tpu.memory_space<hbm>>) target(%dma_start3A_778 : memref<128x64xf32, #tpu.memory_space<vmem>>) offsets(%dma_start3A_781 : memref<128xi32, #tpu.memory_space<vmem>>) semaphore(%arg7 : memref<!tpu.dma_semaphore, #tpu.memory_space<semaphore_mem>>)
      } else {
      }
      %mul3A_618 = arith.constant 10 : i32
      %mul3A_619 = arith.muli %scan3A_290, %mul3A_618 : i32
      %add3A_620 = arith.constant 7 : i32
      %add3A_621 = arith.addi %mul3A_619, %add3A_620 : i32
      %add3A_622 = arith.constant 10 : i32
      %add3A_623 = arith.addi %add3A_621, %add3A_622 : i32
      %sub3A_624 = arith.constant 4 : i32
      %sub3A_625 = arith.subi %add3A_623, %sub3A_624 : i32
      %dma_wait3A_626 = arith.constant 7 : i32
      %dma_wait3A_627 = arith.constant 0 : i32
      %dma_wait3A_628 = arith.constant 0 : i32
      %dma_wait3A_629 = tpu.memref_slice %arg6[%dma_wait3A_626, %dma_wait3A_627, %dma_wait3A_628] : memref<10x128x64xf32, #tpu.memory_space<vmem>> -> memref<1x128x64xf32, #tpu.memory_space<vmem>>
      %dma_wait3A_630 = tpu.memref_squeeze %dma_wait3A_629 : memref<1x128x64xf32, #tpu.memory_space<vmem>> -> memref<128x64xf32, #tpu.memory_space<vmem>>
      %dma_wait3A_631 = arith.constant 0 : i32
      %dma_wait3A_632 = arith.constant 0 : i32
      %dma_wait3A_633 = tpu.memref_slice %arg4[%dma_wait3A_631, %dma_wait3A_632] : memref<819200x64xf32, #tpu.memory_space<hbm>> -> memref<128x64xf32, #tpu.memory_space<hbm>>
      %dma_wait3A_634 = arith.constant 0 : i32
      %dma_wait3A_635 = arith.constant 0 : i32
      %dma_wait3A_636 = tpu.memref_slice %arg6[%dma_wait3A_626, %dma_wait3A_634, %dma_wait3A_635] : memref<10x128x64xf32, #tpu.memory_space<vmem>> -> memref<1x128x64xf32, #tpu.memory_space<vmem>>
      %dma_wait3A_637 = tpu.memref_squeeze %dma_wait3A_636 : memref<1x128x64xf32, #tpu.memory_space<vmem>> -> memref<128x64xf32, #tpu.memory_space<vmem>>
      %dma_wait3A_638 = arith.constant 0 : i32
      %dma_wait3A_639 = arith.constant 0 : i32
      %dma_wait3A_640 = tpu.memref_slice %arg4[%dma_wait3A_638, %dma_wait3A_639] : memref<819200x64xf32, #tpu.memory_space<hbm>> -> memref<128x64xf32, #tpu.memory_space<hbm>>
      tpu.wait_dma2 semaphore(%arg7 : memref<!tpu.dma_semaphore, #tpu.memory_space<semaphore_mem>>) src(%dma_wait3A_640 : memref<128x64xf32, #tpu.memory_space<hbm>>) dst(%dma_wait3A_637 : memref<128x64xf32, #tpu.memory_space<vmem>>)
      %mul3A_641 = arith.constant 128 : i32
      %mul3A_642 = arith.muli %add3A_621, %mul3A_641 : i32
      %add3A_643 = arith.addi %mul3A_2, %mul3A_642 : i32
      %dma_start3A_644 = arith.constant 7 : i32
      %dma_start3A_645 = arith.constant 0 : i32
      %dma_start3A_646 = arith.constant 0 : i32
      %dma_start3A_647 = tpu.memref_slice %arg6[%dma_start3A_644, %dma_start3A_645, %dma_start3A_646] : memref<10x128x64xf32, #tpu.memory_space<vmem>> -> memref<1x128x64xf32, #tpu.memory_space<vmem>>
      %dma_start3A_648 = tpu.memref_squeeze %dma_start3A_647 : memref<1x128x64xf32, #tpu.memory_space<vmem>> -> memref<128x64xf32, #tpu.memory_space<vmem>>
      %dma_start3A_649 = arith.constant 0 : i32
      %dma_start3A_650 = tpu.memref_slice %arg4[%add3A_643, %dma_start3A_649] : memref<819200x64xf32, #tpu.memory_space<hbm>> -> memref<128x64xf32, #tpu.memory_space<hbm>>
      %dma_start3A_651 = arith.constant 0 : i32
      %dma_start3A_652 = tpu.memref_slice %arg4[%add3A_643, %dma_start3A_651] : memref<819200x64xf32, #tpu.memory_space<hbm>> -> memref<128x64xf32, #tpu.memory_space<hbm>>
      %dma_start3A_653 = arith.constant 0 : i32
      %dma_start3A_654 = arith.constant 0 : i32
      %dma_start3A_655 = tpu.memref_slice %arg6[%dma_start3A_644, %dma_start3A_653, %dma_start3A_654] : memref<10x128x64xf32, #tpu.memory_space<vmem>> -> memref<1x128x64xf32, #tpu.memory_space<vmem>>
      %dma_start3A_656 = tpu.memref_squeeze %dma_start3A_655 : memref<1x128x64xf32, #tpu.memory_space<vmem>> -> memref<128x64xf32, #tpu.memory_space<vmem>>
      tpu.enqueue_dma source(%dma_start3A_656 : memref<128x64xf32, #tpu.memory_space<vmem>>) target(%dma_start3A_652 : memref<128x64xf32, #tpu.memory_space<hbm>>) target_semaphore(%arg8 : memref<!tpu.dma_semaphore, #tpu.memory_space<semaphore_mem>>)
      %ge3A_657 = arith.constant 4 : i32
      %ge3A_658 = arith.cmpi sge, %add3A_621, %ge3A_657 : i32
      %lt3A_659 = arith.constant 200 : i32
      %lt3A_660 = arith.cmpi slt, %sub3A_625, %lt3A_659 : i32
      %and3A_661 = arith.andi %ge3A_658, %lt3A_660 : i1
      %convert_element_type3A_662 = arith.extui %and3A_661 : i1 to i32
      %cond3A_663 = arith.constant 0 : i32
      %cond3A_664 = arith.cmpi ne, %convert_element_type3A_662, %cond3A_663 : i32
      scf.if %cond3A_664 {
        %dma_wait3A_759 = arith.constant 3 : i32
        %dma_wait3A_760 = arith.constant 0 : i32
        %dma_wait3A_761 = arith.constant 0 : i32
        %dma_wait3A_762 = tpu.memref_slice %arg6[%dma_wait3A_759, %dma_wait3A_760, %dma_wait3A_761] : memref<10x128x64xf32, #tpu.memory_space<vmem>> -> memref<1x128x64xf32, #tpu.memory_space<vmem>>
        %dma_wait3A_763 = tpu.memref_squeeze %dma_wait3A_762 : memref<1x128x64xf32, #tpu.memory_space<vmem>> -> memref<128x64xf32, #tpu.memory_space<vmem>>
        %dma_wait3A_764 = arith.constant 0 : i32
        %dma_wait3A_765 = arith.constant 0 : i32
        %dma_wait3A_766 = tpu.memref_slice %arg4[%dma_wait3A_764, %dma_wait3A_765] : memref<819200x64xf32, #tpu.memory_space<hbm>> -> memref<128x64xf32, #tpu.memory_space<hbm>>
        %dma_wait3A_767 = arith.constant 0 : i32
        %dma_wait3A_768 = arith.constant 0 : i32
        %dma_wait3A_769 = tpu.memref_slice %arg6[%dma_wait3A_759, %dma_wait3A_767, %dma_wait3A_768] : memref<10x128x64xf32, #tpu.memory_space<vmem>> -> memref<1x128x64xf32, #tpu.memory_space<vmem>>
        %dma_wait3A_770 = tpu.memref_squeeze %dma_wait3A_769 : memref<1x128x64xf32, #tpu.memory_space<vmem>> -> memref<128x64xf32, #tpu.memory_space<vmem>>
        %dma_wait3A_771 = arith.constant 0 : i32
        %dma_wait3A_772 = arith.constant 0 : i32
        %dma_wait3A_773 = tpu.memref_slice %arg4[%dma_wait3A_771, %dma_wait3A_772] : memref<819200x64xf32, #tpu.memory_space<hbm>> -> memref<128x64xf32, #tpu.memory_space<hbm>>
        tpu.wait_dma2 semaphore(%arg8 : memref<!tpu.dma_semaphore, #tpu.memory_space<semaphore_mem>>) src(%dma_wait3A_773 : memref<128x64xf32, #tpu.memory_space<hbm>>) dst(%dma_wait3A_770 : memref<128x64xf32, #tpu.memory_space<vmem>>)
        %dma_start3A_774 = arith.constant 3 : i32
        %dma_start3A_775 = arith.constant 0 : i32
        %dma_start3A_776 = arith.constant 0 : i32
        %dma_start3A_777 = tpu.memref_slice %arg6[%dma_start3A_774, %dma_start3A_775, %dma_start3A_776] : memref<10x128x64xf32, #tpu.memory_space<vmem>> -> memref<1x128x64xf32, #tpu.memory_space<vmem>>
        %dma_start3A_778 = tpu.memref_squeeze %dma_start3A_777 : memref<1x128x64xf32, #tpu.memory_space<vmem>> -> memref<128x64xf32, #tpu.memory_space<vmem>>
        %dma_start3A_779 = arith.constant 0 : i32
        %dma_start3A_780 = tpu.memref_slice %arg5[%sub3A_625, %dma_start3A_779] : memref<200x128xi32, #tpu.memory_space<vmem>> -> memref<1x128xi32, #tpu.memory_space<vmem>>
        %dma_start3A_781 = tpu.memref_squeeze %dma_start3A_780 : memref<1x128xi32, #tpu.memory_space<vmem>> -> memref<128xi32, #tpu.memory_space<vmem>>
        %dma_start3A_782 = arith.constant 0 : i32
        %dma_start3A_783 = arith.constant 0 : i32
        %dma_start3A_784 = tpu.memref_slice %arg3[%dma_start3A_782, %dma_start3A_783] : memref<1000000x64xf32, #tpu.memory_space<hbm>> -> memref<1000000x64xf32, #tpu.memory_space<hbm>>
        tpu.enqueue_indirect_dma source(%dma_start3A_784 : memref<1000000x64xf32, #tpu.memory_space<hbm>>) target(%dma_start3A_778 : memref<128x64xf32, #tpu.memory_space<vmem>>) offsets(%dma_start3A_781 : memref<128xi32, #tpu.memory_space<vmem>>) semaphore(%arg7 : memref<!tpu.dma_semaphore, #tpu.memory_space<semaphore_mem>>)
      } else {
      }
      %mul3A_665 = arith.constant 10 : i32
      %mul3A_666 = arith.muli %scan3A_290, %mul3A_665 : i32
      %add3A_667 = arith.constant 8 : i32
      %add3A_668 = arith.addi %mul3A_666, %add3A_667 : i32
      %add3A_669 = arith.constant 10 : i32
      %add3A_670 = arith.addi %add3A_668, %add3A_669 : i32
      %sub3A_671 = arith.constant 4 : i32
      %sub3A_672 = arith.subi %add3A_670, %sub3A_671 : i32
      %dma_wait3A_673 = arith.constant 8 : i32
      %dma_wait3A_674 = arith.constant 0 : i32
      %dma_wait3A_675 = arith.constant 0 : i32
      %dma_wait3A_676 = tpu.memref_slice %arg6[%dma_wait3A_673, %dma_wait3A_674, %dma_wait3A_675] : memref<10x128x64xf32, #tpu.memory_space<vmem>> -> memref<1x128x64xf32, #tpu.memory_space<vmem>>
      %dma_wait3A_677 = tpu.memref_squeeze %dma_wait3A_676 : memref<1x128x64xf32, #tpu.memory_space<vmem>> -> memref<128x64xf32, #tpu.memory_space<vmem>>
      %dma_wait3A_678 = arith.constant 0 : i32
      %dma_wait3A_679 = arith.constant 0 : i32
      %dma_wait3A_680 = tpu.memref_slice %arg4[%dma_wait3A_678, %dma_wait3A_679] : memref<819200x64xf32, #tpu.memory_space<hbm>> -> memref<128x64xf32, #tpu.memory_space<hbm>>
      %dma_wait3A_681 = arith.constant 0 : i32
      %dma_wait3A_682 = arith.constant 0 : i32
      %dma_wait3A_683 = tpu.memref_slice %arg6[%dma_wait3A_673, %dma_wait3A_681, %dma_wait3A_682] : memref<10x128x64xf32, #tpu.memory_space<vmem>> -> memref<1x128x64xf32, #tpu.memory_space<vmem>>
      %dma_wait3A_684 = tpu.memref_squeeze %dma_wait3A_683 : memref<1x128x64xf32, #tpu.memory_space<vmem>> -> memref<128x64xf32, #tpu.memory_space<vmem>>
      %dma_wait3A_685 = arith.constant 0 : i32
      %dma_wait3A_686 = arith.constant 0 : i32
      %dma_wait3A_687 = tpu.memref_slice %arg4[%dma_wait3A_685, %dma_wait3A_686] : memref<819200x64xf32, #tpu.memory_space<hbm>> -> memref<128x64xf32, #tpu.memory_space<hbm>>
      tpu.wait_dma2 semaphore(%arg7 : memref<!tpu.dma_semaphore, #tpu.memory_space<semaphore_mem>>) src(%dma_wait3A_687 : memref<128x64xf32, #tpu.memory_space<hbm>>) dst(%dma_wait3A_684 : memref<128x64xf32, #tpu.memory_space<vmem>>)
      %mul3A_688 = arith.constant 128 : i32
      %mul3A_689 = arith.muli %add3A_668, %mul3A_688 : i32
      %add3A_690 = arith.addi %mul3A_2, %mul3A_689 : i32
      %dma_start3A_691 = arith.constant 8 : i32
      %dma_start3A_692 = arith.constant 0 : i32
      %dma_start3A_693 = arith.constant 0 : i32
      %dma_start3A_694 = tpu.memref_slice %arg6[%dma_start3A_691, %dma_start3A_692, %dma_start3A_693] : memref<10x128x64xf32, #tpu.memory_space<vmem>> -> memref<1x128x64xf32, #tpu.memory_space<vmem>>
      %dma_start3A_695 = tpu.memref_squeeze %dma_start3A_694 : memref<1x128x64xf32, #tpu.memory_space<vmem>> -> memref<128x64xf32, #tpu.memory_space<vmem>>
      %dma_start3A_696 = arith.constant 0 : i32
      %dma_start3A_697 = tpu.memref_slice %arg4[%add3A_690, %dma_start3A_696] : memref<819200x64xf32, #tpu.memory_space<hbm>> -> memref<128x64xf32, #tpu.memory_space<hbm>>
      %dma_start3A_698 = arith.constant 0 : i32
      %dma_start3A_699 = tpu.memref_slice %arg4[%add3A_690, %dma_start3A_698] : memref<819200x64xf32, #tpu.memory_space<hbm>> -> memref<128x64xf32, #tpu.memory_space<hbm>>
      %dma_start3A_700 = arith.constant 0 : i32
      %dma_start3A_701 = arith.constant 0 : i32
      %dma_start3A_702 = tpu.memref_slice %arg6[%dma_start3A_691, %dma_start3A_700, %dma_start3A_701] : memref<10x128x64xf32, #tpu.memory_space<vmem>> -> memref<1x128x64xf32, #tpu.memory_space<vmem>>
      %dma_start3A_703 = tpu.memref_squeeze %dma_start3A_702 : memref<1x128x64xf32, #tpu.memory_space<vmem>> -> memref<128x64xf32, #tpu.memory_space<vmem>>
      tpu.enqueue_dma source(%dma_start3A_703 : memref<128x64xf32, #tpu.memory_space<vmem>>) target(%dma_start3A_699 : memref<128x64xf32, #tpu.memory_space<hbm>>) target_semaphore(%arg8 : memref<!tpu.dma_semaphore, #tpu.memory_space<semaphore_mem>>)
      %ge3A_704 = arith.constant 4 : i32
      %ge3A_705 = arith.cmpi sge, %add3A_668, %ge3A_704 : i32
      %lt3A_706 = arith.constant 200 : i32
      %lt3A_707 = arith.cmpi slt, %sub3A_672, %lt3A_706 : i32
      %and3A_708 = arith.andi %ge3A_705, %lt3A_707 : i1
      %convert_element_type3A_709 = arith.extui %and3A_708 : i1 to i32
      %cond3A_710 = arith.constant 0 : i32
      %cond3A_711 = arith.cmpi ne, %convert_element_type3A_709, %cond3A_710 : i32
      scf.if %cond3A_711 {
        %dma_wait3A_759 = arith.constant 4 : i32
        %dma_wait3A_760 = arith.constant 0 : i32
        %dma_wait3A_761 = arith.constant 0 : i32
        %dma_wait3A_762 = tpu.memref_slice %arg6[%dma_wait3A_759, %dma_wait3A_760, %dma_wait3A_761] : memref<10x128x64xf32, #tpu.memory_space<vmem>> -> memref<1x128x64xf32, #tpu.memory_space<vmem>>
        %dma_wait3A_763 = tpu.memref_squeeze %dma_wait3A_762 : memref<1x128x64xf32, #tpu.memory_space<vmem>> -> memref<128x64xf32, #tpu.memory_space<vmem>>
        %dma_wait3A_764 = arith.constant 0 : i32
        %dma_wait3A_765 = arith.constant 0 : i32
        %dma_wait3A_766 = tpu.memref_slice %arg4[%dma_wait3A_764, %dma_wait3A_765] : memref<819200x64xf32, #tpu.memory_space<hbm>> -> memref<128x64xf32, #tpu.memory_space<hbm>>
        %dma_wait3A_767 = arith.constant 0 : i32
        %dma_wait3A_768 = arith.constant 0 : i32
        %dma_wait3A_769 = tpu.memref_slice %arg6[%dma_wait3A_759, %dma_wait3A_767, %dma_wait3A_768] : memref<10x128x64xf32, #tpu.memory_space<vmem>> -> memref<1x128x64xf32, #tpu.memory_space<vmem>>
        %dma_wait3A_770 = tpu.memref_squeeze %dma_wait3A_769 : memref<1x128x64xf32, #tpu.memory_space<vmem>> -> memref<128x64xf32, #tpu.memory_space<vmem>>
        %dma_wait3A_771 = arith.constant 0 : i32
        %dma_wait3A_772 = arith.constant 0 : i32
        %dma_wait3A_773 = tpu.memref_slice %arg4[%dma_wait3A_771, %dma_wait3A_772] : memref<819200x64xf32, #tpu.memory_space<hbm>> -> memref<128x64xf32, #tpu.memory_space<hbm>>
        tpu.wait_dma2 semaphore(%arg8 : memref<!tpu.dma_semaphore, #tpu.memory_space<semaphore_mem>>) src(%dma_wait3A_773 : memref<128x64xf32, #tpu.memory_space<hbm>>) dst(%dma_wait3A_770 : memref<128x64xf32, #tpu.memory_space<vmem>>)
        %dma_start3A_774 = arith.constant 4 : i32
        %dma_start3A_775 = arith.constant 0 : i32
        %dma_start3A_776 = arith.constant 0 : i32
        %dma_start3A_777 = tpu.memref_slice %arg6[%dma_start3A_774, %dma_start3A_775, %dma_start3A_776] : memref<10x128x64xf32, #tpu.memory_space<vmem>> -> memref<1x128x64xf32, #tpu.memory_space<vmem>>
        %dma_start3A_778 = tpu.memref_squeeze %dma_start3A_777 : memref<1x128x64xf32, #tpu.memory_space<vmem>> -> memref<128x64xf32, #tpu.memory_space<vmem>>
        %dma_start3A_779 = arith.constant 0 : i32
        %dma_start3A_780 = tpu.memref_slice %arg5[%sub3A_672, %dma_start3A_779] : memref<200x128xi32, #tpu.memory_space<vmem>> -> memref<1x128xi32, #tpu.memory_space<vmem>>
        %dma_start3A_781 = tpu.memref_squeeze %dma_start3A_780 : memref<1x128xi32, #tpu.memory_space<vmem>> -> memref<128xi32, #tpu.memory_space<vmem>>
        %dma_start3A_782 = arith.constant 0 : i32
        %dma_start3A_783 = arith.constant 0 : i32
        %dma_start3A_784 = tpu.memref_slice %arg3[%dma_start3A_782, %dma_start3A_783] : memref<1000000x64xf32, #tpu.memory_space<hbm>> -> memref<1000000x64xf32, #tpu.memory_space<hbm>>
        tpu.enqueue_indirect_dma source(%dma_start3A_784 : memref<1000000x64xf32, #tpu.memory_space<hbm>>) target(%dma_start3A_778 : memref<128x64xf32, #tpu.memory_space<vmem>>) offsets(%dma_start3A_781 : memref<128xi32, #tpu.memory_space<vmem>>) semaphore(%arg7 : memref<!tpu.dma_semaphore, #tpu.memory_space<semaphore_mem>>)
      } else {
      }
      %mul3A_712 = arith.constant 10 : i32
      %mul3A_713 = arith.muli %scan3A_290, %mul3A_712 : i32
      %add3A_714 = arith.constant 9 : i32
      %add3A_715 = arith.addi %mul3A_713, %add3A_714 : i32
      %add3A_716 = arith.constant 10 : i32
      %add3A_717 = arith.addi %add3A_715, %add3A_716 : i32
      %sub3A_718 = arith.constant 4 : i32
      %sub3A_719 = arith.subi %add3A_717, %sub3A_718 : i32
      %dma_wait3A_720 = arith.constant 9 : i32
      %dma_wait3A_721 = arith.constant 0 : i32
      %dma_wait3A_722 = arith.constant 0 : i32
      %dma_wait3A_723 = tpu.memref_slice %arg6[%dma_wait3A_720, %dma_wait3A_721, %dma_wait3A_722] : memref<10x128x64xf32, #tpu.memory_space<vmem>> -> memref<1x128x64xf32, #tpu.memory_space<vmem>>
      %dma_wait3A_724 = tpu.memref_squeeze %dma_wait3A_723 : memref<1x128x64xf32, #tpu.memory_space<vmem>> -> memref<128x64xf32, #tpu.memory_space<vmem>>
      %dma_wait3A_725 = arith.constant 0 : i32
      %dma_wait3A_726 = arith.constant 0 : i32
      %dma_wait3A_727 = tpu.memref_slice %arg4[%dma_wait3A_725, %dma_wait3A_726] : memref<819200x64xf32, #tpu.memory_space<hbm>> -> memref<128x64xf32, #tpu.memory_space<hbm>>
      %dma_wait3A_728 = arith.constant 0 : i32
      %dma_wait3A_729 = arith.constant 0 : i32
      %dma_wait3A_730 = tpu.memref_slice %arg6[%dma_wait3A_720, %dma_wait3A_728, %dma_wait3A_729] : memref<10x128x64xf32, #tpu.memory_space<vmem>> -> memref<1x128x64xf32, #tpu.memory_space<vmem>>
      %dma_wait3A_731 = tpu.memref_squeeze %dma_wait3A_730 : memref<1x128x64xf32, #tpu.memory_space<vmem>> -> memref<128x64xf32, #tpu.memory_space<vmem>>
      %dma_wait3A_732 = arith.constant 0 : i32
      %dma_wait3A_733 = arith.constant 0 : i32
      %dma_wait3A_734 = tpu.memref_slice %arg4[%dma_wait3A_732, %dma_wait3A_733] : memref<819200x64xf32, #tpu.memory_space<hbm>> -> memref<128x64xf32, #tpu.memory_space<hbm>>
      tpu.wait_dma2 semaphore(%arg7 : memref<!tpu.dma_semaphore, #tpu.memory_space<semaphore_mem>>) src(%dma_wait3A_734 : memref<128x64xf32, #tpu.memory_space<hbm>>) dst(%dma_wait3A_731 : memref<128x64xf32, #tpu.memory_space<vmem>>)
      %mul3A_735 = arith.constant 128 : i32
      %mul3A_736 = arith.muli %add3A_715, %mul3A_735 : i32
      %add3A_737 = arith.addi %mul3A_2, %mul3A_736 : i32
      %dma_start3A_738 = arith.constant 9 : i32
      %dma_start3A_739 = arith.constant 0 : i32
      %dma_start3A_740 = arith.constant 0 : i32
      %dma_start3A_741 = tpu.memref_slice %arg6[%dma_start3A_738, %dma_start3A_739, %dma_start3A_740] : memref<10x128x64xf32, #tpu.memory_space<vmem>> -> memref<1x128x64xf32, #tpu.memory_space<vmem>>
      %dma_start3A_742 = tpu.memref_squeeze %dma_start3A_741 : memref<1x128x64xf32, #tpu.memory_space<vmem>> -> memref<128x64xf32, #tpu.memory_space<vmem>>
      %dma_start3A_743 = arith.constant 0 : i32
      %dma_start3A_744 = tpu.memref_slice %arg4[%add3A_737, %dma_start3A_743] : memref<819200x64xf32, #tpu.memory_space<hbm>> -> memref<128x64xf32, #tpu.memory_space<hbm>>
      %dma_start3A_745 = arith.constant 0 : i32
      %dma_start3A_746 = tpu.memref_slice %arg4[%add3A_737, %dma_start3A_745] : memref<819200x64xf32, #tpu.memory_space<hbm>> -> memref<128x64xf32, #tpu.memory_space<hbm>>
      %dma_start3A_747 = arith.constant 0 : i32
      %dma_start3A_748 = arith.constant 0 : i32
      %dma_start3A_749 = tpu.memref_slice %arg6[%dma_start3A_738, %dma_start3A_747, %dma_start3A_748] : memref<10x128x64xf32, #tpu.memory_space<vmem>> -> memref<1x128x64xf32, #tpu.memory_space<vmem>>
      %dma_start3A_750 = tpu.memref_squeeze %dma_start3A_749 : memref<1x128x64xf32, #tpu.memory_space<vmem>> -> memref<128x64xf32, #tpu.memory_space<vmem>>
      tpu.enqueue_dma source(%dma_start3A_750 : memref<128x64xf32, #tpu.memory_space<vmem>>) target(%dma_start3A_746 : memref<128x64xf32, #tpu.memory_space<hbm>>) target_semaphore(%arg8 : memref<!tpu.dma_semaphore, #tpu.memory_space<semaphore_mem>>)
      %ge3A_751 = arith.constant 4 : i32
      %ge3A_752 = arith.cmpi sge, %add3A_715, %ge3A_751 : i32
      %lt3A_753 = arith.constant 200 : i32
      %lt3A_754 = arith.cmpi slt, %sub3A_719, %lt3A_753 : i32
      %and3A_755 = arith.andi %ge3A_752, %lt3A_754 : i1
      %convert_element_type3A_756 = arith.extui %and3A_755 : i1 to i32
      %cond3A_757 = arith.constant 0 : i32
      %cond3A_758 = arith.cmpi ne, %convert_element_type3A_756, %cond3A_757 : i32
      scf.if %cond3A_758 {
        %dma_wait3A_759 = arith.constant 5 : i32
        %dma_wait3A_760 = arith.constant 0 : i32
        %dma_wait3A_761 = arith.constant 0 : i32
        %dma_wait3A_762 = tpu.memref_slice %arg6[%dma_wait3A_759, %dma_wait3A_760, %dma_wait3A_761] : memref<10x128x64xf32, #tpu.memory_space<vmem>> -> memref<1x128x64xf32, #tpu.memory_space<vmem>>
        %dma_wait3A_763 = tpu.memref_squeeze %dma_wait3A_762 : memref<1x128x64xf32, #tpu.memory_space<vmem>> -> memref<128x64xf32, #tpu.memory_space<vmem>>
        %dma_wait3A_764 = arith.constant 0 : i32
        %dma_wait3A_765 = arith.constant 0 : i32
        %dma_wait3A_766 = tpu.memref_slice %arg4[%dma_wait3A_764, %dma_wait3A_765] : memref<819200x64xf32, #tpu.memory_space<hbm>> -> memref<128x64xf32, #tpu.memory_space<hbm>>
        %dma_wait3A_767 = arith.constant 0 : i32
        %dma_wait3A_768 = arith.constant 0 : i32
        %dma_wait3A_769 = tpu.memref_slice %arg6[%dma_wait3A_759, %dma_wait3A_767, %dma_wait3A_768] : memref<10x128x64xf32, #tpu.memory_space<vmem>> -> memref<1x128x64xf32, #tpu.memory_space<vmem>>
        %dma_wait3A_770 = tpu.memref_squeeze %dma_wait3A_769 : memref<1x128x64xf32, #tpu.memory_space<vmem>> -> memref<128x64xf32, #tpu.memory_space<vmem>>
        %dma_wait3A_771 = arith.constant 0 : i32
        %dma_wait3A_772 = arith.constant 0 : i32
        %dma_wait3A_773 = tpu.memref_slice %arg4[%dma_wait3A_771, %dma_wait3A_772] : memref<819200x64xf32, #tpu.memory_space<hbm>> -> memref<128x64xf32, #tpu.memory_space<hbm>>
        tpu.wait_dma2 semaphore(%arg8 : memref<!tpu.dma_semaphore, #tpu.memory_space<semaphore_mem>>) src(%dma_wait3A_773 : memref<128x64xf32, #tpu.memory_space<hbm>>) dst(%dma_wait3A_770 : memref<128x64xf32, #tpu.memory_space<vmem>>)
        %dma_start3A_774 = arith.constant 5 : i32
        %dma_start3A_775 = arith.constant 0 : i32
        %dma_start3A_776 = arith.constant 0 : i32
        %dma_start3A_777 = tpu.memref_slice %arg6[%dma_start3A_774, %dma_start3A_775, %dma_start3A_776] : memref<10x128x64xf32, #tpu.memory_space<vmem>> -> memref<1x128x64xf32, #tpu.memory_space<vmem>>
        %dma_start3A_778 = tpu.memref_squeeze %dma_start3A_777 : memref<1x128x64xf32, #tpu.memory_space<vmem>> -> memref<128x64xf32, #tpu.memory_space<vmem>>
        %dma_start3A_779 = arith.constant 0 : i32
        %dma_start3A_780 = tpu.memref_slice %arg5[%sub3A_719, %dma_start3A_779] : memref<200x128xi32, #tpu.memory_space<vmem>> -> memref<1x128xi32, #tpu.memory_space<vmem>>
        %dma_start3A_781 = tpu.memref_squeeze %dma_start3A_780 : memref<1x128xi32, #tpu.memory_space<vmem>> -> memref<128xi32, #tpu.memory_space<vmem>>
        %dma_start3A_782 = arith.constant 0 : i32
        %dma_start3A_783 = arith.constant 0 : i32
        %dma_start3A_784 = tpu.memref_slice %arg3[%dma_start3A_782, %dma_start3A_783] : memref<1000000x64xf32, #tpu.memory_space<hbm>> -> memref<1000000x64xf32, #tpu.memory_space<hbm>>
        tpu.enqueue_indirect_dma source(%dma_start3A_784 : memref<1000000x64xf32, #tpu.memory_space<hbm>>) target(%dma_start3A_778 : memref<128x64xf32, #tpu.memory_space<vmem>>) offsets(%dma_start3A_781 : memref<128xi32, #tpu.memory_space<vmem>>) semaphore(%arg7 : memref<!tpu.dma_semaphore, #tpu.memory_space<semaphore_mem>>)
      } else {
      }
    }
    %scan3A_140 = arith.constant 20 : i32
    %dma_wait3A = arith.constant 0 : i32
    %dma_wait3A_141 = arith.constant 0 : i32
    %dma_wait3A_142 = arith.constant 0 : i32
    %dma_wait3A_143 = tpu.memref_slice %arg6[%dma_wait3A, %dma_wait3A_141, %dma_wait3A_142] : memref<10x128x64xf32, #tpu.memory_space<vmem>> -> memref<1x128x64xf32, #tpu.memory_space<vmem>>
    %dma_wait3A_144 = tpu.memref_squeeze %dma_wait3A_143 : memref<1x128x64xf32, #tpu.memory_space<vmem>> -> memref<128x64xf32, #tpu.memory_space<vmem>>
    %dma_wait3A_145 = arith.constant 0 : i32
    %dma_wait3A_146 = arith.constant 0 : i32
    %dma_wait3A_147 = tpu.memref_slice %arg4[%dma_wait3A_145, %dma_wait3A_146] : memref<819200x64xf32, #tpu.memory_space<hbm>> -> memref<128x64xf32, #tpu.memory_space<hbm>>
    %dma_wait3A_148 = arith.constant 0 : i32
    %dma_wait3A_149 = arith.constant 0 : i32
    %dma_wait3A_150 = tpu.memref_slice %arg6[%dma_wait3A, %dma_wait3A_148, %dma_wait3A_149] : memref<10x128x64xf32, #tpu.memory_space<vmem>> -> memref<1x128x64xf32, #tpu.memory_space<vmem>>
    %dma_wait3A_151 = tpu.memref_squeeze %dma_wait3A_150 : memref<1x128x64xf32, #tpu.memory_space<vmem>> -> memref<128x64xf32, #tpu.memory_space<vmem>>
    %dma_wait3A_152 = arith.constant 0 : i32
    %dma_wait3A_153 = arith.constant 0 : i32
    %dma_wait3A_154 = tpu.memref_slice %arg4[%dma_wait3A_152, %dma_wait3A_153] : memref<819200x64xf32, #tpu.memory_space<hbm>> -> memref<128x64xf32, #tpu.memory_space<hbm>>
    tpu.wait_dma2 semaphore(%arg8 : memref<!tpu.dma_semaphore, #tpu.memory_space<semaphore_mem>>) src(%dma_wait3A_154 : memref<128x64xf32, #tpu.memory_space<hbm>>) dst(%dma_wait3A_151 : memref<128x64xf32, #tpu.memory_space<vmem>>)
    %dma_wait3A_155 = arith.constant 1 : i32
    %dma_wait3A_156 = arith.constant 0 : i32
    %dma_wait3A_157 = arith.constant 0 : i32
    %dma_wait3A_158 = tpu.memref_slice %arg6[%dma_wait3A_155, %dma_wait3A_156, %dma_wait3A_157] : memref<10x128x64xf32, #tpu.memory_space<vmem>> -> memref<1x128x64xf32, #tpu.memory_space<vmem>>
    %dma_wait3A_159 = tpu.memref_squeeze %dma_wait3A_158 : memref<1x128x64xf32, #tpu.memory_space<vmem>> -> memref<128x64xf32, #tpu.memory_space<vmem>>
    %dma_wait3A_160 = arith.constant 0 : i32
    %dma_wait3A_161 = arith.constant 0 : i32
    %dma_wait3A_162 = tpu.memref_slice %arg4[%dma_wait3A_160, %dma_wait3A_161] : memref<819200x64xf32, #tpu.memory_space<hbm>> -> memref<128x64xf32, #tpu.memory_space<hbm>>
    %dma_wait3A_163 = arith.constant 0 : i32
    %dma_wait3A_164 = arith.constant 0 : i32
    %dma_wait3A_165 = tpu.memref_slice %arg6[%dma_wait3A_155, %dma_wait3A_163, %dma_wait3A_164] : memref<10x128x64xf32, #tpu.memory_space<vmem>> -> memref<1x128x64xf32, #tpu.memory_space<vmem>>
    %dma_wait3A_166 = tpu.memref_squeeze %dma_wait3A_165 : memref<1x128x64xf32, #tpu.memory_space<vmem>> -> memref<128x64xf32, #tpu.memory_space<vmem>>
    %dma_wait3A_167 = arith.constant 0 : i32
    %dma_wait3A_168 = arith.constant 0 : i32
    %dma_wait3A_169 = tpu.memref_slice %arg4[%dma_wait3A_167, %dma_wait3A_168] : memref<819200x64xf32, #tpu.memory_space<hbm>> -> memref<128x64xf32, #tpu.memory_space<hbm>>
    tpu.wait_dma2 semaphore(%arg8 : memref<!tpu.dma_semaphore, #tpu.memory_space<semaphore_mem>>) src(%dma_wait3A_169 : memref<128x64xf32, #tpu.memory_space<hbm>>) dst(%dma_wait3A_166 : memref<128x64xf32, #tpu.memory_space<vmem>>)
    %dma_wait3A_170 = arith.constant 2 : i32
    %dma_wait3A_171 = arith.constant 0 : i32
    %dma_wait3A_172 = arith.constant 0 : i32
    %dma_wait3A_173 = tpu.memref_slice %arg6[%dma_wait3A_170, %dma_wait3A_171, %dma_wait3A_172] : memref<10x128x64xf32, #tpu.memory_space<vmem>> -> memref<1x128x64xf32, #tpu.memory_space<vmem>>
    %dma_wait3A_174 = tpu.memref_squeeze %dma_wait3A_173 : memref<1x128x64xf32, #tpu.memory_space<vmem>> -> memref<128x64xf32, #tpu.memory_space<vmem>>
    %dma_wait3A_175 = arith.constant 0 : i32
    %dma_wait3A_176 = arith.constant 0 : i32
    %dma_wait3A_177 = tpu.memref_slice %arg4[%dma_wait3A_175, %dma_wait3A_176] : memref<819200x64xf32, #tpu.memory_space<hbm>> -> memref<128x64xf32, #tpu.memory_space<hbm>>
    %dma_wait3A_178 = arith.constant 0 : i32
    %dma_wait3A_179 = arith.constant 0 : i32
    %dma_wait3A_180 = tpu.memref_slice %arg6[%dma_wait3A_170, %dma_wait3A_178, %dma_wait3A_179] : memref<10x128x64xf32, #tpu.memory_space<vmem>> -> memref<1x128x64xf32, #tpu.memory_space<vmem>>
    %dma_wait3A_181 = tpu.memref_squeeze %dma_wait3A_180 : memref<1x128x64xf32, #tpu.memory_space<vmem>> -> memref<128x64xf32, #tpu.memory_space<vmem>>
    %dma_wait3A_182 = arith.constant 0 : i32
    %dma_wait3A_183 = arith.constant 0 : i32
    %dma_wait3A_184 = tpu.memref_slice %arg4[%dma_wait3A_182, %dma_wait3A_183] : memref<819200x64xf32, #tpu.memory_space<hbm>> -> memref<128x64xf32, #tpu.memory_space<hbm>>
    tpu.wait_dma2 semaphore(%arg8 : memref<!tpu.dma_semaphore, #tpu.memory_space<semaphore_mem>>) src(%dma_wait3A_184 : memref<128x64xf32, #tpu.memory_space<hbm>>) dst(%dma_wait3A_181 : memref<128x64xf32, #tpu.memory_space<vmem>>)
    %dma_wait3A_185 = arith.constant 3 : i32
    %dma_wait3A_186 = arith.constant 0 : i32
    %dma_wait3A_187 = arith.constant 0 : i32
    %dma_wait3A_188 = tpu.memref_slice %arg6[%dma_wait3A_185, %dma_wait3A_186, %dma_wait3A_187] : memref<10x128x64xf32, #tpu.memory_space<vmem>> -> memref<1x128x64xf32, #tpu.memory_space<vmem>>
    %dma_wait3A_189 = tpu.memref_squeeze %dma_wait3A_188 : memref<1x128x64xf32, #tpu.memory_space<vmem>> -> memref<128x64xf32, #tpu.memory_space<vmem>>
    %dma_wait3A_190 = arith.constant 0 : i32
    %dma_wait3A_191 = arith.constant 0 : i32
    %dma_wait3A_192 = tpu.memref_slice %arg4[%dma_wait3A_190, %dma_wait3A_191] : memref<819200x64xf32, #tpu.memory_space<hbm>> -> memref<128x64xf32, #tpu.memory_space<hbm>>
    %dma_wait3A_193 = arith.constant 0 : i32
    %dma_wait3A_194 = arith.constant 0 : i32
    %dma_wait3A_195 = tpu.memref_slice %arg6[%dma_wait3A_185, %dma_wait3A_193, %dma_wait3A_194] : memref<10x128x64xf32, #tpu.memory_space<vmem>> -> memref<1x128x64xf32, #tpu.memory_space<vmem>>
    %dma_wait3A_196 = tpu.memref_squeeze %dma_wait3A_195 : memref<1x128x64xf32, #tpu.memory_space<vmem>> -> memref<128x64xf32, #tpu.memory_space<vmem>>
    %dma_wait3A_197 = arith.constant 0 : i32
    %dma_wait3A_198 = arith.constant 0 : i32
    %dma_wait3A_199 = tpu.memref_slice %arg4[%dma_wait3A_197, %dma_wait3A_198] : memref<819200x64xf32, #tpu.memory_space<hbm>> -> memref<128x64xf32, #tpu.memory_space<hbm>>
    tpu.wait_dma2 semaphore(%arg8 : memref<!tpu.dma_semaphore, #tpu.memory_space<semaphore_mem>>) src(%dma_wait3A_199 : memref<128x64xf32, #tpu.memory_space<hbm>>) dst(%dma_wait3A_196 : memref<128x64xf32, #tpu.memory_space<vmem>>)
    %dma_wait3A_200 = arith.constant 4 : i32
    %dma_wait3A_201 = arith.constant 0 : i32
    %dma_wait3A_202 = arith.constant 0 : i32
    %dma_wait3A_203 = tpu.memref_slice %arg6[%dma_wait3A_200, %dma_wait3A_201, %dma_wait3A_202] : memref<10x128x64xf32, #tpu.memory_space<vmem>> -> memref<1x128x64xf32, #tpu.memory_space<vmem>>
    %dma_wait3A_204 = tpu.memref_squeeze %dma_wait3A_203 : memref<1x128x64xf32, #tpu.memory_space<vmem>> -> memref<128x64xf32, #tpu.memory_space<vmem>>
    %dma_wait3A_205 = arith.constant 0 : i32
    %dma_wait3A_206 = arith.constant 0 : i32
    %dma_wait3A_207 = tpu.memref_slice %arg4[%dma_wait3A_205, %dma_wait3A_206] : memref<819200x64xf32, #tpu.memory_space<hbm>> -> memref<128x64xf32, #tpu.memory_space<hbm>>
    %dma_wait3A_208 = arith.constant 0 : i32
    %dma_wait3A_209 = arith.constant 0 : i32
    %dma_wait3A_210 = tpu.memref_slice %arg6[%dma_wait3A_200, %dma_wait3A_208, %dma_wait3A_209] : memref<10x128x64xf32, #tpu.memory_space<vmem>> -> memref<1x128x64xf32, #tpu.memory_space<vmem>>
    %dma_wait3A_211 = tpu.memref_squeeze %dma_wait3A_210 : memref<1x128x64xf32, #tpu.memory_space<vmem>> -> memref<128x64xf32, #tpu.memory_space<vmem>>
    %dma_wait3A_212 = arith.constant 0 : i32
    %dma_wait3A_213 = arith.constant 0 : i32
    %dma_wait3A_214 = tpu.memref_slice %arg4[%dma_wait3A_212, %dma_wait3A_213] : memref<819200x64xf32, #tpu.memory_space<hbm>> -> memref<128x64xf32, #tpu.memory_space<hbm>>
    tpu.wait_dma2 semaphore(%arg8 : memref<!tpu.dma_semaphore, #tpu.memory_space<semaphore_mem>>) src(%dma_wait3A_214 : memref<128x64xf32, #tpu.memory_space<hbm>>) dst(%dma_wait3A_211 : memref<128x64xf32, #tpu.memory_space<vmem>>)
    %dma_wait3A_215 = arith.constant 5 : i32
    %dma_wait3A_216 = arith.constant 0 : i32
    %dma_wait3A_217 = arith.constant 0 : i32
    %dma_wait3A_218 = tpu.memref_slice %arg6[%dma_wait3A_215, %dma_wait3A_216, %dma_wait3A_217] : memref<10x128x64xf32, #tpu.memory_space<vmem>> -> memref<1x128x64xf32, #tpu.memory_space<vmem>>
    %dma_wait3A_219 = tpu.memref_squeeze %dma_wait3A_218 : memref<1x128x64xf32, #tpu.memory_space<vmem>> -> memref<128x64xf32, #tpu.memory_space<vmem>>
    %dma_wait3A_220 = arith.constant 0 : i32
    %dma_wait3A_221 = arith.constant 0 : i32
    %dma_wait3A_222 = tpu.memref_slice %arg4[%dma_wait3A_220, %dma_wait3A_221] : memref<819200x64xf32, #tpu.memory_space<hbm>> -> memref<128x64xf32, #tpu.memory_space<hbm>>
    %dma_wait3A_223 = arith.constant 0 : i32
    %dma_wait3A_224 = arith.constant 0 : i32
    %dma_wait3A_225 = tpu.memref_slice %arg6[%dma_wait3A_215, %dma_wait3A_223, %dma_wait3A_224] : memref<10x128x64xf32, #tpu.memory_space<vmem>> -> memref<1x128x64xf32, #tpu.memory_space<vmem>>
    %dma_wait3A_226 = tpu.memref_squeeze %dma_wait3A_225 : memref<1x128x64xf32, #tpu.memory_space<vmem>> -> memref<128x64xf32, #tpu.memory_space<vmem>>
    %dma_wait3A_227 = arith.constant 0 : i32
    %dma_wait3A_228 = arith.constant 0 : i32
    %dma_wait3A_229 = tpu.memref_slice %arg4[%dma_wait3A_227, %dma_wait3A_228] : memref<819200x64xf32, #tpu.memory_space<hbm>> -> memref<128x64xf32, #tpu.memory_space<hbm>>
    tpu.wait_dma2 semaphore(%arg8 : memref<!tpu.dma_semaphore, #tpu.memory_space<semaphore_mem>>) src(%dma_wait3A_229 : memref<128x64xf32, #tpu.memory_space<hbm>>) dst(%dma_wait3A_226 : memref<128x64xf32, #tpu.memory_space<vmem>>)
    %dma_wait3A_230 = arith.constant 6 : i32
    %dma_wait3A_231 = arith.constant 0 : i32
    %dma_wait3A_232 = arith.constant 0 : i32
    %dma_wait3A_233 = tpu.memref_slice %arg6[%dma_wait3A_230, %dma_wait3A_231, %dma_wait3A_232] : memref<10x128x64xf32, #tpu.memory_space<vmem>> -> memref<1x128x64xf32, #tpu.memory_space<vmem>>
    %dma_wait3A_234 = tpu.memref_squeeze %dma_wait3A_233 : memref<1x128x64xf32, #tpu.memory_space<vmem>> -> memref<128x64xf32, #tpu.memory_space<vmem>>
    %dma_wait3A_235 = arith.constant 0 : i32
    %dma_wait3A_236 = arith.constant 0 : i32
    %dma_wait3A_237 = tpu.memref_slice %arg4[%dma_wait3A_235, %dma_wait3A_236] : memref<819200x64xf32, #tpu.memory_space<hbm>> -> memref<128x64xf32, #tpu.memory_space<hbm>>
    %dma_wait3A_238 = arith.constant 0 : i32
    %dma_wait3A_239 = arith.constant 0 : i32
    %dma_wait3A_240 = tpu.memref_slice %arg6[%dma_wait3A_230, %dma_wait3A_238, %dma_wait3A_239] : memref<10x128x64xf32, #tpu.memory_space<vmem>> -> memref<1x128x64xf32, #tpu.memory_space<vmem>>
    %dma_wait3A_241 = tpu.memref_squeeze %dma_wait3A_240 : memref<1x128x64xf32, #tpu.memory_space<vmem>> -> memref<128x64xf32, #tpu.memory_space<vmem>>
    %dma_wait3A_242 = arith.constant 0 : i32
    %dma_wait3A_243 = arith.constant 0 : i32
    %dma_wait3A_244 = tpu.memref_slice %arg4[%dma_wait3A_242, %dma_wait3A_243] : memref<819200x64xf32, #tpu.memory_space<hbm>> -> memref<128x64xf32, #tpu.memory_space<hbm>>
    tpu.wait_dma2 semaphore(%arg8 : memref<!tpu.dma_semaphore, #tpu.memory_space<semaphore_mem>>) src(%dma_wait3A_244 : memref<128x64xf32, #tpu.memory_space<hbm>>) dst(%dma_wait3A_241 : memref<128x64xf32, #tpu.memory_space<vmem>>)
    %dma_wait3A_245 = arith.constant 7 : i32
    %dma_wait3A_246 = arith.constant 0 : i32
    %dma_wait3A_247 = arith.constant 0 : i32
    %dma_wait3A_248 = tpu.memref_slice %arg6[%dma_wait3A_245, %dma_wait3A_246, %dma_wait3A_247] : memref<10x128x64xf32, #tpu.memory_space<vmem>> -> memref<1x128x64xf32, #tpu.memory_space<vmem>>
    %dma_wait3A_249 = tpu.memref_squeeze %dma_wait3A_248 : memref<1x128x64xf32, #tpu.memory_space<vmem>> -> memref<128x64xf32, #tpu.memory_space<vmem>>
    %dma_wait3A_250 = arith.constant 0 : i32
    %dma_wait3A_251 = arith.constant 0 : i32
    %dma_wait3A_252 = tpu.memref_slice %arg4[%dma_wait3A_250, %dma_wait3A_251] : memref<819200x64xf32, #tpu.memory_space<hbm>> -> memref<128x64xf32, #tpu.memory_space<hbm>>
    %dma_wait3A_253 = arith.constant 0 : i32
    %dma_wait3A_254 = arith.constant 0 : i32
    %dma_wait3A_255 = tpu.memref_slice %arg6[%dma_wait3A_245, %dma_wait3A_253, %dma_wait3A_254] : memref<10x128x64xf32, #tpu.memory_space<vmem>> -> memref<1x128x64xf32, #tpu.memory_space<vmem>>
    %dma_wait3A_256 = tpu.memref_squeeze %dma_wait3A_255 : memref<1x128x64xf32, #tpu.memory_space<vmem>> -> memref<128x64xf32, #tpu.memory_space<vmem>>
    %dma_wait3A_257 = arith.constant 0 : i32
    %dma_wait3A_258 = arith.constant 0 : i32
    %dma_wait3A_259 = tpu.memref_slice %arg4[%dma_wait3A_257, %dma_wait3A_258] : memref<819200x64xf32, #tpu.memory_space<hbm>> -> memref<128x64xf32, #tpu.memory_space<hbm>>
    tpu.wait_dma2 semaphore(%arg8 : memref<!tpu.dma_semaphore, #tpu.memory_space<semaphore_mem>>) src(%dma_wait3A_259 : memref<128x64xf32, #tpu.memory_space<hbm>>) dst(%dma_wait3A_256 : memref<128x64xf32, #tpu.memory_space<vmem>>)
    %dma_wait3A_260 = arith.constant 8 : i32
    %dma_wait3A_261 = arith.constant 0 : i32
    %dma_wait3A_262 = arith.constant 0 : i32
    %dma_wait3A_263 = tpu.memref_slice %arg6[%dma_wait3A_260, %dma_wait3A_261, %dma_wait3A_262] : memref<10x128x64xf32, #tpu.memory_space<vmem>> -> memref<1x128x64xf32, #tpu.memory_space<vmem>>
    %dma_wait3A_264 = tpu.memref_squeeze %dma_wait3A_263 : memref<1x128x64xf32, #tpu.memory_space<vmem>> -> memref<128x64xf32, #tpu.memory_space<vmem>>
    %dma_wait3A_265 = arith.constant 0 : i32
    %dma_wait3A_266 = arith.constant 0 : i32
    %dma_wait3A_267 = tpu.memref_slice %arg4[%dma_wait3A_265, %dma_wait3A_266] : memref<819200x64xf32, #tpu.memory_space<hbm>> -> memref<128x64xf32, #tpu.memory_space<hbm>>
    %dma_wait3A_268 = arith.constant 0 : i32
    %dma_wait3A_269 = arith.constant 0 : i32
    %dma_wait3A_270 = tpu.memref_slice %arg6[%dma_wait3A_260, %dma_wait3A_268, %dma_wait3A_269] : memref<10x128x64xf32, #tpu.memory_space<vmem>> -> memref<1x128x64xf32, #tpu.memory_space<vmem>>
    %dma_wait3A_271 = tpu.memref_squeeze %dma_wait3A_270 : memref<1x128x64xf32, #tpu.memory_space<vmem>> -> memref<128x64xf32, #tpu.memory_space<vmem>>
    %dma_wait3A_272 = arith.constant 0 : i32
    %dma_wait3A_273 = arith.constant 0 : i32
    %dma_wait3A_274 = tpu.memref_slice %arg4[%dma_wait3A_272, %dma_wait3A_273] : memref<819200x64xf32, #tpu.memory_space<hbm>> -> memref<128x64xf32, #tpu.memory_space<hbm>>
    tpu.wait_dma2 semaphore(%arg8 : memref<!tpu.dma_semaphore, #tpu.memory_space<semaphore_mem>>) src(%dma_wait3A_274 : memref<128x64xf32, #tpu.memory_space<hbm>>) dst(%dma_wait3A_271 : memref<128x64xf32, #tpu.memory_space<vmem>>)
    %dma_wait3A_275 = arith.constant 9 : i32
    %dma_wait3A_276 = arith.constant 0 : i32
    %dma_wait3A_277 = arith.constant 0 : i32
    %dma_wait3A_278 = tpu.memref_slice %arg6[%dma_wait3A_275, %dma_wait3A_276, %dma_wait3A_277] : memref<10x128x64xf32, #tpu.memory_space<vmem>> -> memref<1x128x64xf32, #tpu.memory_space<vmem>>
    %dma_wait3A_279 = tpu.memref_squeeze %dma_wait3A_278 : memref<1x128x64xf32, #tpu.memory_space<vmem>> -> memref<128x64xf32, #tpu.memory_space<vmem>>
    %dma_wait3A_280 = arith.constant 0 : i32
    %dma_wait3A_281 = arith.constant 0 : i32
    %dma_wait3A_282 = tpu.memref_slice %arg4[%dma_wait3A_280, %dma_wait3A_281] : memref<819200x64xf32, #tpu.memory_space<hbm>> -> memref<128x64xf32, #tpu.memory_space<hbm>>
    %dma_wait3A_283 = arith.constant 0 : i32
    %dma_wait3A_284 = arith.constant 0 : i32
    %dma_wait3A_285 = tpu.memref_slice %arg6[%dma_wait3A_275, %dma_wait3A_283, %dma_wait3A_284] : memref<10x128x64xf32, #tpu.memory_space<vmem>> -> memref<1x128x64xf32, #tpu.memory_space<vmem>>
    %dma_wait3A_286 = tpu.memref_squeeze %dma_wait3A_285 : memref<1x128x64xf32, #tpu.memory_space<vmem>> -> memref<128x64xf32, #tpu.memory_space<vmem>>
    %dma_wait3A_287 = arith.constant 0 : i32
    %dma_wait3A_288 = arith.constant 0 : i32
    %dma_wait3A_289 = tpu.memref_slice %arg4[%dma_wait3A_287, %dma_wait3A_288] : memref<819200x64xf32, #tpu.memory_space<hbm>> -> memref<128x64xf32, #tpu.memory_space<hbm>>
    tpu.wait_dma2 semaphore(%arg8 : memref<!tpu.dma_semaphore, #tpu.memory_space<semaphore_mem>>) src(%dma_wait3A_289 : memref<128x64xf32, #tpu.memory_space<hbm>>) dst(%dma_wait3A_286 : memref<128x64xf32, #tpu.memory_space<vmem>>)
    return
  }
}

</mosaic_0001>

<sc_bundles>
// kernel: kernel.3.cloned.1.call-start
scs
__scs_entry_jumppad:
0x0: {  	(pc) =	sbr.rel $0x88, $3  }
0x1: {  	(tag) =	ssettag $0x0;
	lr =	simm.s32 $0x1  }
0x2: {  	[smem:$0x3F9F] =	sst lr;
	_ =	strace $0xD0000000  }
0x3: {  	_ = 	snop  }
0x4: {  	_ = 	snop  }
0x5: {  	_ = 	snop  }
0x6: {  	_ = 	snop  }
0x7: {  	_ = 	snop  }
__scs_overlays_trampoline_lowered:
0x8: {  	[smem:$0x3FAE] =	sst s0  }
0x9: {  	[smem:$0x3FAF] =	sst s1  }
0xa: {  	[smem:$0x3FB0] =	sst s2  }
0xb: {  	[smem:$0x3FB1] =	sst s3  }
0xc: {  	[smem:$0x3FB2] =	sst s4  }
0xd: {  	[smem:$0x3FB3] =	sst s5  }
0xe: {  	[smem:$0x3FB4] =	sst s6  }
0xf: {  	[smem:$0x3FB5] =	sst s7  }
0x10: {  	[smem:$0x3FB6] =	sst s8  }
0x11: {  	[smem:$0x3FB7] =	sst s9;
	s0 =	simm.s32 @!p0 $0x0  }
0x12: {  	s1 =	sld [smem:$0x3F9D];
	s0 =	simm.s32 @p0 $0x1  }
0x13: {  	[smem:$0x3FB8] =	sst s0;
	s0 =	simm.s32 @!p1 $0x0  }
0x14: {  	s2 =	sld [smem:$0x3F9C];
	s0 =	simm.s32 @p1 $0x1  }
0x15: {  	[smem:$0x3FB9] =	sst s0;
	s0 =	simm.s32 @!p2 $0x0  }
0x16: {  	s3 =	sld [smem:$0x3FDB];
	s0 =	simm.s32 @p2 $0x1  }
0x17: {  	s4 =	simm.s32 $0x1BF5;
	[smem:$0x3FBB] =	sst s0  }
0x18: {  	s0 =	sld [smem:$0x3F9E];
	_ =	swait.ge [sflag:s4], $0x0  }
0x19: {  	s7 =	sld [smem:$0x3F9F]  }
0x1a: {  	s8 =	sadd.s32 $0xFFFFE003, lr  }
0x1b: {  	s9 =	sadd.s32 $0xFFFFFEF7, lr;
	s5 =	simm.s32 $0xFFFFFFFF;
	p2 =	slt.u32 s8, $0xFFFFF086  }
0x1c: {  	p1 =	slt.u32 s9, $0xF7A;
	s5 =	simm.s32 @!p2 $0x0  }
0x1d: {  	s5 =	simm.s32 @p1 $0x1;
	p0 =	seq.s32 s7, s2  }
0x1e: {  	s7 =	smul.u32 @!p0 $0xF7A, s2;
	p2 =	seq.s32 @!p0 s5, $0x0  }
0x1f: {  	s9 =	smul.u32 $0xF7A, s1;
	s8 =	simm.s32 @!p0 $0x1BF5;
	p2 =	por !p2, p0  }
0x20: {  	[sflag:s8] =	ssyncset.s32 @!p0 $0xFFFFF086;
	s6 =	sadd.s32 @!p0 s3, s7;
	s7 =	simm.s32 @!p0 $0x108  }
0x21: {  	s3 =	sadd.s32 s3, s9;
	s6 =	sadd.s32 @!p0 $0x88, s6;
	s7 =	simm.s32 @p2 $0x1082  }
0x22: {  	[simem:s7], [sflag:s8] =	dma.local @!p0 [hbm:s6], $0xF7A  }
0x23: {  	s9 =	sor.u32 $0xD0000000, s2;
	s6 =	simm.s32 $0x108;
	_ =	swait.ge @!p0 [sflag:s8], $0x0  }
0x24: {  	s3 =	sadd.s32 $0x88, s3;
	s6 =	simm.s32 @!p1 $0x1082;
	[sflag:s4] =	ssyncset.s32 $0xFFFFF086  }
0x25: {  	[simem:s6], [sflag:s4] =	dma.local [hbm:s3], $0xF7A  }
0x26: {  	[smem:$0x3F9F] =	sst s1;
	(tag) =	ssettag s2;
	_ =	strace s9  }
0x27: {  	s1 =	sld [smem:$0x3FAF]  }
0x28: {  	s2 =	sld [smem:$0x3FB0]  }
0x29: {  	s4 =	sld [smem:$0x3FB2]  }
0x2a: {  	p0 =	seq.s32 s5, $0x0;
	s5 =	sld [smem:$0x3FB3]  }
0x2b: {  	s6 =	sld [smem:$0x3FB4]  }
0x2c: {  	s7 =	sld [smem:$0x3FB5]  }
0x2d: {  	s3 =	simm.s32 $0x108;
	s8 =	sld [smem:$0x3FB6]  }
0x2e: {  	s3 =	simm.s32 @!p0 $0x1082;
	s9 =	sld [smem:$0x3FB7]  }
0x2f: {  	lr =	sadd.s32 s0, s3;
	s0 =	sld [smem:$0x3FAE]  }
0x30: {  	s3 =	sld [smem:$0x3FB1]  }
0x31: {  	[smem:$0x3FBA] =	sst s10  }
0x32: {  	s10 =	sld [smem:$0x3FB8];
	_ =	sdelay $0x3  }
0x33: {  	p0 =	seq.s32 s10, $0x1;
	s10 =	sld [smem:$0x3FBA];
	_ =	sdelay $0x3  }
0x34: {  	[smem:$0x3FBA] =	sst s10  }
0x35: {  	s10 =	sld [smem:$0x3FB9];
	_ =	sdelay $0x3  }
0x36: {  	p1 =	seq.s32 s10, $0x1;
	s10 =	sld [smem:$0x3FBA];
	_ =	sdelay $0x3  }
0x37: {  	[smem:$0x3FBA] =	sst s10  }
0x38: {  	s10 =	sld [smem:$0x3FBB]  }
0x39: {  	_ = 	snop;
	(pc) =	sbr.ind lr, $3  }
0x3a: {  	_ = 	snop  }
0x3b: {  	_ = 	snop  }
0x3c: {  	p2 =	seq.s32 s10, $0x1;
	s10 =	sld [smem:$0x3FBA]  }
0x3d: {  	_ =	shalt  }
0x3e: {  	_ =	shalt  }
0x3f: {  	_ =	shalt  }
0x40: {  	_ =	shalt  }
0x41: {  	_ =	shalt  }
0x42: {  	_ =	shalt  }
0x43: {  	_ =	shalt  }
0x44: {  	_ =	shalt  }
0x45: {  	_ =	shalt  }
0x46: {  	_ =	shalt  }
0x47: {  	_ =	shalt  }
0x48: {  	_ =	shalt  }
0x49: {  	_ =	shalt  }
0x4a: {  	_ =	shalt  }
0x4b: {  	_ =	shalt  }
0x4c: {  	_ =	shalt  }
0x4d: {  	_ =	shalt  }
0x4e: {  	_ =	shalt  }
0x4f: {  	_ =	shalt  }
0x50: {  	_ =	shalt  }
0x51: {  	_ =	shalt  }
0x52: {  	_ =	shalt  }
0x53: {  	_ =	shalt  }
0x54: {  	_ =	shalt  }
0x55: {  	_ =	shalt  }
0x56: {  	_ =	shalt  }
0x57: {  	_ =	shalt  }
0x58: {  	_ =	shalt  }
0x59: {  	_ =	shalt  }
0x5a: {  	_ =	shalt  }
0x5b: {  	_ =	shalt  }
0x5c: {  	_ =	shalt  }
0x5d: {  	_ =	shalt  }
0x5e: {  	_ =	shalt  }
0x5f: {  	_ =	shalt  }
0x60: {  	_ =	shalt  }
0x61: {  	_ =	shalt  }
0x62: {  	_ =	shalt  }
0x63: {  	_ =	shalt  }
0x64: {  	_ =	shalt  }
0x65: {  	_ =	shalt  }
0x66: {  	_ =	shalt  }
0x67: {  	_ =	shalt  }
0x68: {  	_ =	shalt  }
0x69: {  	_ =	shalt  }
0x6a: {  	_ =	shalt  }
0x6b: {  	_ =	shalt  }
0x6c: {  	_ =	shalt  }
0x6d: {  	_ =	shalt  }
0x6e: {  	_ =	shalt  }
0x6f: {  	_ =	shalt  }
0x70: {  	_ =	shalt  }
0x71: {  	_ =	shalt  }
0x72: {  	_ =	shalt  }
0x73: {  	_ =	shalt  }
0x74: {  	_ =	shalt  }
0x75: {  	_ =	shalt  }
0x76: {  	_ =	shalt  }
0x77: {  	_ =	shalt  }
0x78: {  	_ =	shalt  }
0x79: {  	_ =	shalt  }
0x7a: {  	_ =	shalt  }
0x7b: {  	_ =	shalt  }
0x7c: {  	_ =	shalt  }
0x7d: {  	_ =	shalt  }
0x7e: {  	_ =	shalt  }
0x7f: {  	_ =	shalt  }
0x80: {  	_ =	shalt  }
0x81: {  	_ =	shalt  }
0x82: {  	_ =	shalt  }
0x83: {  	_ =	shalt  }
0x84: {  	_ =	shalt  }
0x85: {  	_ =	shalt  }
0x86: {  	_ =	shalt  }
0x87: {  	_ =	shalt  }
.Lfunc_end0:
.L_simem_size_0:
called_computation.1_lowered:
.L_overlay_start_0:
0x88: {  	s2 =	sld [smem:$0x3FD9]  }
0x89: {  	s3 =	sld [smem:$0x3FFE];
	_ =	sdelay $0x1  }
0x8a: {  	s1 =	srdreg.scid  }
0x8b: {  	s0 =	sand.u32 $0x1, s1  }
0x8c: {  	s17 =	sshll.u32 s0, $0xA;
	s2 =	sadd.s32 s3, s2  }
0x8d: {  	s2 =	sadd.s32 s2, s17  }
0x8e: {  	[smem:$0x3FC6] =	sst s2  }
0x8f: {  	_ = 	snop  }
0x90: {  	s2 =	sld [smem:$0x3FD0];
	(tm) =	ssettm $0x1  }
0x91: {  	s18 =	sld [smem:$0x3FFB];
	_ =	sdelay $0x3  }
0x92: {  	_ =	strace s18  }
0x93: {  	s3 =	sld [smem:$0x3FFC];
	_ =	sdelay $0x3  }
0x94: {  	_ =	strace s3  }
0x95: {  	s3 =	sld [smem:$0x3FFD];
	_ =	sdelay $0x3  }
0x96: {  	_ =	strace s3  }
0x97: {  	_ =	strace $0x8FFFFFFF  }
0x98: {  	s19 =	sld [smem:$0x3FDB];
	_ =	sdelay $0x1  }
0x99: {  	s4 =	simm.s32 $_scs_section_size  }
0x9a: {  	s5 =	simm.s32 $_size__tile_overlayer_lowered;
	s6 =	simm.s32 $_tile_overlayer_lowered  }
0x9b: {  	s22 =	simm.s32 $0x1BFF;
	s21 =	sshll.u32 s6, $0x1;
	s3 =	sadd.s32 s4, s19  }
0x9c: {  	s7 =	simm.s32 $0x0;
	s20 =	sshll.u32 s5, $0x1;
	s5 =	sadd.s32 s21, s3  }
0x9d: {  	[timem:s7], [sflag:s22] =	dma.local [hbm:s5], s20  }
0x9e: {  	_ =	swait.ge [sflag:s22], s20  }
0x9f: {  	s4 =	ssub.s32 $0x0, s20;
	[sflag:s22] =	ssyncset.done $0x0  }
0xa0: {  	[sflag:s22] =	ssyncadd.s32 s4;
	_ =	sdelay $0x1  }
0xa1: {  	s23 =	simm.s32 $0x1B8B  }
0xa2: {  	_ =	swait.ge [sflag:s23], $0x1  }
0xa3: {  	[sflag:s23] =	ssyncset.done $0x0  }
0xa4: {  	s25 =	simm.s32 $0x1B8E;
	s24 =	sld [smem:$0x3FFE];
	[sflag:s23] =	ssyncadd.s32 $0xFFFFFFFF  }
0xa5: {  	s26 =	simm.s32 $execute0_lowered;
	[smem:$0x3FD2] =	sst s25  }
0xa6: {  	s5 =	sshll.u32 s26, $0x1;
	_ =	strace $0x80000046;
	[dreg:$0x1] =	wrdreg $0xFFFFFFFF  }
0xa7: {  	s28 =	simm.s32 $_size_execute0_lowered;
	s3 =	sadd.s32 s3, s5;
	[dreg:$0x0] =	wrdreg $0x0  }
0xa8: {  	s5 =	sshll.u32 s28, $0x1;
	[dreg:$0x2] =	wrdreg s3  }
0xa9: {  	[dreg:$0x3] =	wrdreg s5  }
0xaa: {  	[dreg:$0x4] =	wrdreg $0xC0  }
0xab: {  	_ =	task [dreg:s7], $0x5FFFF  }
0xac: {  	[dreg:$0x1] =	wrdreg $0xFFFFFFFF  }
0xad: {  	[dreg:$0x0] =	wrdreg $0x60  }
0xae: {  	[dreg:$0x2] =	wrdreg s24  }
0xaf: {  	[dreg:$0x3] =	wrdreg s2  }
0xb0: {  	[dreg:$0x4] =	wrdreg $0x9  }
0xb1: {  	_ =	task.clear_ibuf [dreg:s7], $0x5FFFF;
	_ =	strace $0x90000046  }
0xb2: {  	s29 =	simm.s32 $0x9;
	_ =	strace $0x80000048  }
0xb3: {  	_ =	swait.ge [sflag:s29], $0x1  }
0xb4: {  	[sflag:s29] =	ssyncadd.s32 $0xFFFFFFFF  }
0xb5: {  	_ =	strace $0x90000048  }
0xb6: {  	_ =	sfence  }
0xb7: {  	s30 =	sld [smem:$0x0];
	_ =	sdelay $0x2  }
0xb8: {  	s31 =	sshll.u32 s1, $0xD;
	s1 =	sshrl.u32 s1, $0x2  }
0xb9: {  	s3 =	sand.u32 $0x4000, s31;
	s1 =	sadd.s32 s1, s30  }
0xba: {  	s0 =	sor.u32 s3, s0;
	s1 =	sshll.u32 s1, $0x11  }
0xbb: {  	s0 =	sor.u32 s1, s0  }
0xbc: {  	s0 =	sadd.s32 $0x8F2B, s0  }
0xbd: {  	[sflag:s0] =	ssyncadd.remote.s32 $0x1  }
0xbe: {  	_ =	sfence.sel $0xFFFF  }
0xbf: {  	[dreg:$0x0] =	wrdreg $0xFFFFFFFF;
	(pc) =	sbr.abs _section_cstart, $3  }
0xc0: {  	[dreg:$0x1] =	wrdreg $0xFFFFFFFF  }
0xc1: {  	_ =	task.clear_ibuf [dreg:s7], $0x2FFFF;
	_ =	strace $0x9FFFFFFF  }
0xc2: {  	(tm) =	ssettm $0x7FFFFFFF  }
0xc3: {  	_ =	shalt  }
tec
execute0_lowered:
.L_overlay_start_1:
0x0: {  	(tag) =	ssettag $0x1  }
0x1: {  	s0 =	rddreg [dreg:$0x0]  }
0x2: {  	s1 =	srdreg.scid;
	s11 =	stileid.u32  }
0x3: {  	s10 =	rddreg [dreg:$0x1];
	s3 =	simm.s32 $0x0;
	s6 =	smul.u32 $0x320000, s11  }
0x4: {  	s28 =	simm.s32 $0xC400;
	s1 =	sand.u32 $0x1, s1;
	s22 =	smul.u32 $0x64000, s11  }
0x5: {  	s30 =	simm.s32 $0xE400;
	s2 =	sshll.u32 s11, $0x1;
	s9 =	smul.u32 $0x190000, s1  }
0x6: {  	s2 =	sor.u32 s1, s2;
	s5 =	ssub.s32 $0x2, s1;
	s1 =	smul.u32 $0x32000, s1  }
0x7: {  	s29 =	simm.s32 $0x16400;
	[smem:$0x7FF] =	sst s3;
	s4 =	smul.u32 $0x6400, s2  }
0x8: {  	_ =	strace $0x80000047;
	s2 =	smul.u32 $0x190000, s2;
	s8 =	sshrl.u32 s5, $0x1  }
0x9: {  	s14 =	ssub.s32 s5, s8;
	s17 =	sadd.s32 s9, s6;
	s5 =	simm.s32 $0x0  }
0xa: {  	s4 =	sshrl.u32 s4, $0x3;
	s2 =	sshrl.u32 s2, $0x3;
	s19 =	sor.u32 $0xA000, s17  }
0xb: {  	s20 =	sor.u32 $0x8000, s17;
	s21 =	sor.u32 $0x6000, s17;
	s23 =	sor.u32 $0x4000, s17  }
0xc: {  	s24 =	sor.u32 $0x2000, s17;
	s6 =	sadd.s32 $0x12000, s17;
	s25 =	sadd.s32 $0x10000, s17  }
0xd: {  	s26 =	sor.u32 $0xE000, s17;
	s31 =	sor.u32 $0xC000, s17;
	s7 =	sadd.s32 s4, s0  }
0xe: {  	s4 =	sadd.s32 $0xF42E00, s0;
	s0 =	smax.u32 s14, $0x1;
	s18 =	sadd.s32 s10, s2  }
0xf: {  	s9 =	sshrl.u32 s19, $0x3;
	s10 =	sshrl.u32 s20, $0x3;
	s11 =	sshrl.u32 s21, $0x3  }
0x10: {  	s12 =	sshrl.u32 s23, $0x3;
	s13 =	sshrl.u32 s24, $0x3;
	s14 =	sadd.s32 s1, s22  }
0x11: {  	s17 =	sshrl.u32 s26, $0x3;
	s21 =	simm.s32 $0x80;
	s2 =	simm.s32 $0x12400  }
.Ltmp0:
0x12: {  	s24 =	simm.s32 $0x14400;
	s20 =	simm.s32 $0x1;
	(pc) =	sbr.rel .LBB2_1-.Ltmp0, $4  }
0x13: {  	s26 =	simm.s32 $0x2;
	s15 =	sadd.s32 $0xA00, s7;
	[dreg:$0x5] =	wrdreg s0  }
0x14: {  	s16 =	sadd.s32 $0xC00, s7;
	s8 =	sadd.s32 $0x30C00, s18;
	[dreg:$0x3] =	wrdreg s15  }
0x15: {  	s18 =	sshrl.u32 s31, $0x3;
	s0 =	simm.s32 $0x18400;
	[dreg:$0x4] =	wrdreg s16  }
0x16: {  	s15 =	sshrl.u32 s6, $0x3;
	s16 =	sshrl.u32 s25, $0x3;
	s25 =	simm.s32 $0xA400  }
.LBB2_4:
0x17: {  	_ =	swait.ge [sflag:s26], $0x2000  }
0x18: {  	[sflag:s26] =	ssyncset.done $0x0  }
0x19: {  	[sflag:s26] =	ssyncadd.s32 $0xFFFFE000  }
0x1a: {  	_ =	swait.ge [sflag:s26], $0x2000  }
0x1b: {  	[sflag:s26] =	ssyncset.done $0x0  }
0x1c: {  	[sflag:s26] =	ssyncadd.s32 $0xFFFFE000  }
0x1d: {  	_ =	swait.ge [sflag:s26], $0x2000  }
0x1e: {  	[sflag:s26] =	ssyncset.done $0x0  }
0x1f: {  	[sflag:s26] =	ssyncadd.s32 $0xFFFFE000  }
0x20: {  	_ =	swait.ge [sflag:s26], $0x2000  }
0x21: {  	[sflag:s26] =	ssyncset.done $0x0  }
0x22: {  	[sflag:s26] =	ssyncadd.s32 $0xFFFFE000  }
0x23: {  	_ =	swait.ge [sflag:s26], $0x2000  }
0x24: {  	[sflag:s26] =	ssyncset.done $0x0  }
0x25: {  	[sflag:s26] =	ssyncadd.s32 $0xFFFFE000  }
0x26: {  	_ =	swait.ge [sflag:s26], $0x2000  }
0x27: {  	[sflag:s26] =	ssyncset.done $0x0  }
0x28: {  	[sflag:s26] =	ssyncadd.s32 $0xFFFFE000  }
0x29: {  	_ =	swait.ge [sflag:s26], $0x2000  }
0x2a: {  	[sflag:s26] =	ssyncset.done $0x0  }
0x2b: {  	[sflag:s26] =	ssyncadd.s32 $0xFFFFE000  }
0x2c: {  	_ =	swait.ge [sflag:s26], $0x2000  }
0x2d: {  	[sflag:s26] =	ssyncset.done $0x0  }
0x2e: {  	[sflag:s26] =	ssyncadd.s32 $0xFFFFE000  }
0x2f: {  	_ =	swait.ge [sflag:s26], $0x2000  }
0x30: {  	s5 =	rddreg [dreg:$0x6]  }
0x31: {  	s1 =	rddreg [dreg:$0x5];
	s5 =	sadd.s32 $0x1, s5  }
0x32: {  	p0 =	sne.s32 s5, s1  }
.Ltmp1:
0x33: {  	_ = 	snop;
	(pc) =	sbr.rel @!p0 .LBB2_5-.Ltmp1, $3  }
0x34: {  	_ =	sdelay $0x1  }
0x35: {  	[sflag:s26] =	ssyncset.done $0x0  }
0x36: {  	[sflag:s26] =	ssyncadd.s32 $0xFFFFE000  }
.LBB2_1:
0x37: {  	[dreg:$0x6] =	wrdreg s5  }
0x38: {  	s1 =	rddreg [dreg:$0x3];
	s5 =	simm.s32 $0x4  }
0x39: {  	[tilespmem:s3], [sflag:$0x4] =	stream.linear.gather [hbm4b:s1+s3], $0x1000, $0x38;
	[tilespmem:$0x1A400] =	vst v63  }
0x3a: {  	_ =	swait.ge [sflag:s5], $0x1000  }
0x3b: {  	[sflag:s5] =	ssyncset.done $0x0  }
0x3c: {  	s7 =	simm.s32 $0x1000;
	s6 =	rddreg [dreg:$0x4];
	[sflag:s5] =	ssyncadd.s32 $0xFFFFF000  }
0x3d: {  	[tilespmem:s7], [sflag:$0x3] =	stream.linear.gather [hbm4b:s6+s3], $0x5400, $0x38;
	[tilespmem:$0x1A400] =	vst v63  }
0x3e: {  	s19 =	simm.s32 $0x6400  }
0x3f: {  	[tilespmem:s19], [sflag:$0x1] =	stream.indirect.gather [hbm4b:s4+s21], $0x40, s3, s21, $0xb8;
	[tilespmem:$0x1A400] =	vst v63  }
0x40: {  	s22 =	simm.s32 $0x8400  }
0x41: {  	[tilespmem:s22], [sflag:$0x1] =	stream.indirect.gather [hbm4b:s4+s21], $0x40, s21, s21, $0xb8;
	[tilespmem:$0x1A400] =	vst v63  }
0x42: {  	s23 =	simm.s32 $0x100  }
0x43: {  	[tilespmem:s25], [sflag:$0x1] =	stream.indirect.gather [hbm4b:s4+s21], $0x40, s23, s21, $0xb8;
	[tilespmem:$0x1A400] =	vst v63  }
0x44: {  	s31 =	simm.s32 $0x180  }
0x45: {  	[tilespmem:s28], [sflag:$0x1] =	stream.indirect.gather [hbm4b:s4+s21], $0x40, s31, s21, $0xb8;
	[tilespmem:$0x1A400] =	vst v63  }
0x46: {  	s5 =	simm.s32 $0x200  }
0x47: {  	[tilespmem:s30], [sflag:$0x1] =	stream.indirect.gather [hbm4b:s4+s21], $0x40, s5, s21, $0xb8;
	[tilespmem:$0x1A400] =	vst v63  }
0x48: {  	s6 =	simm.s32 $0x280;
	s7 =	simm.s32 $0x10400  }
0x49: {  	[tilespmem:s7], [sflag:$0x1] =	stream.indirect.gather [hbm4b:s4+s21], $0x40, s6, s21, $0xb8;
	[tilespmem:$0x1A400] =	vst v63  }
0x4a: {  	s19 =	simm.s32 $0x300  }
0x4b: {  	[tilespmem:s2], [sflag:$0x1] =	stream.indirect.gather [hbm4b:s4+s21], $0x40, s19, s21, $0xb8;
	[tilespmem:$0x1A400] =	vst v63  }
0x4c: {  	s22 =	simm.s32 $0x380  }
0x4d: {  	[tilespmem:s24], [sflag:$0x1] =	stream.indirect.gather [hbm4b:s4+s21], $0x40, s22, s21, $0xb8;
	[tilespmem:$0x1A400] =	vst v63  }
0x4e: {  	s23 =	simm.s32 $0x400  }
0x4f: {  	[tilespmem:s29], [sflag:$0x1] =	stream.indirect.gather [hbm4b:s4+s21], $0x40, s23, s21, $0xb8;
	[tilespmem:$0x1A400] =	vst v63  }
0x50: {  	s31 =	simm.s32 $0x480;
	s5 =	rddreg [dreg:$0x1];
	s6 =	simm.s32 $0x0  }
0x51: {  	[tilespmem:s0], [sflag:$0x1] =	stream.indirect.gather [hbm4b:s4+s21], $0x40, s31, s21, $0xb8;
	[tilespmem:$0x1A400] =	vst v63  }
.LBB2_2:
0x52: {  	p0 =	sne.s32 s6, $0x2800  }
0x53: {  	s7 =	simm.s32 @!p0 $0x3  }
0x54: {  	_ =	swait.ge @!p0 [sflag:s7], $0x5400  }
0x55: {  	[sflag:s7] =	ssyncset.done @!p0 $0x0  }
0x56: {  	[sflag:s7] =	ssyncadd.s32 @!p0 $0xFFFFAC00  }
0x57: {  	_ =	swait.ge [sflag:s20], $0x2000  }
0x58: {  	s31 =	sadd.s32 s5, s14;
	p0 =	seq.s32 s6, $0x0;
	[sflag:s20] =	ssyncset.done $0x0  }
0x59: {  	s1 =	simm.s32 $0x6400;
	s7 =	simm.s32 @!p0 $0x2;
	[sflag:s20] =	ssyncadd.s32 $0xFFFFE000  }
0x5a: {  	[hbm4b:s31+s3] =	stream.linear.scatter [tilespmem:s1], [sflag:$0x2], $0x2000, $0x38;
	[tilespmem:$0x1A400] =	vst v63  }
0x5b: {  	_ =	swait.ge @!p0 [sflag:s7], $0x2000  }
0x5c: {  	s19 =	sshra.s32 @!p0 s6, $0x2;
	s22 =	simm.s32 @!p0 $0x80;
	[sflag:s7] =	ssyncset.done @!p0 $0x0  }
0x5d: {  	s23 =	simm.s32 @!p0 $0x12400;
	s31 =	sadd.s32 @!p0 $0x300, s19;
	[sflag:s7] =	ssyncadd.s32 @!p0 $0xFFFFE000  }
0x5e: {  	[tilespmem:s23], [sflag:$0x1] =	stream.indirect.gather @!p0 [hbm4b:s4+s22], $0x40, s31, s22, $0xb8;
	[tilespmem:$0x1A400] =	vst v63  }
0x5f: {  	_ =	swait.ge [sflag:s20], $0x2000  }
0x60: {  	[sflag:s20] =	ssyncset.done $0x0  }
0x61: {  	s1 =	sadd.s32 s5, s13;
	s31 =	simm.s32 $0x8400;
	[sflag:s20] =	ssyncadd.s32 $0xFFFFE000  }
0x62: {  	[hbm4b:s1+s3] =	stream.linear.scatter [tilespmem:s31], [sflag:$0x2], $0x2000, $0x38;
	[tilespmem:$0x1A400] =	vst v63  }
0x63: {  	_ =	swait.ge @!p0 [sflag:s7], $0x2000  }
0x64: {  	[sflag:s7] =	ssyncset.done @!p0 $0x0  }
0x65: {  	s23 =	sadd.s32 @!p0 $0x380, s19;
	s31 =	simm.s32 @!p0 $0x14400;
	[sflag:s7] =	ssyncadd.s32 @!p0 $0xFFFFE000  }
0x66: {  	[tilespmem:s31], [sflag:$0x1] =	stream.indirect.gather @!p0 [hbm4b:s4+s22], $0x40, s23, s22, $0xb8;
	[tilespmem:$0x1A400] =	vst v63  }
0x67: {  	_ =	swait.ge [sflag:s20], $0x2000  }
0x68: {  	[sflag:s20] =	ssyncset.done $0x0  }
0x69: {  	s31 =	sadd.s32 s5, s12;
	[sflag:s20] =	ssyncadd.s32 $0xFFFFE000  }
0x6a: {  	[hbm4b:s31+s3] =	stream.linear.scatter [tilespmem:s25], [sflag:$0x2], $0x2000, $0x38;
	[tilespmem:$0x1A400] =	vst v63  }
0x6b: {  	_ =	swait.ge @!p0 [sflag:s7], $0x2000  }
0x6c: {  	[sflag:s7] =	ssyncset.done @!p0 $0x0  }
0x6d: {  	s23 =	sadd.s32 @!p0 $0x400, s19;
	s31 =	simm.s32 @!p0 $0x16400;
	[sflag:s7] =	ssyncadd.s32 @!p0 $0xFFFFE000  }
0x6e: {  	[tilespmem:s31], [sflag:$0x1] =	stream.indirect.gather @!p0 [hbm4b:s4+s22], $0x40, s23, s22, $0xb8;
	[tilespmem:$0x1A400] =	vst v63  }
0x6f: {  	_ =	swait.ge [sflag:s20], $0x2000  }
0x70: {  	[sflag:s20] =	ssyncset.done $0x0  }
0x71: {  	s1 =	sadd.s32 s5, s11;
	[sflag:s20] =	ssyncadd.s32 $0xFFFFE000  }
0x72: {  	[hbm4b:s1+s3] =	stream.linear.scatter [tilespmem:s28], [sflag:$0x2], $0x2000, $0x38;
	[tilespmem:$0x1A400] =	vst v63  }
0x73: {  	_ =	swait.ge @!p0 [sflag:s7], $0x2000  }
0x74: {  	[sflag:s7] =	ssyncset.done @!p0 $0x0  }
0x75: {  	[sflag:s7] =	ssyncadd.s32 @!p0 $0xFFFFE000;
	s7 =	sadd.s32 @!p0 $0x480, s19;
	s19 =	simm.s32 @!p0 $0x18400  }
0x76: {  	[tilespmem:s19], [sflag:$0x1] =	stream.indirect.gather @!p0 [hbm4b:s4+s22], $0x40, s7, s22, $0xb8;
	[tilespmem:$0x1A400] =	vst v63  }
0x77: {  	_ =	swait.ge [sflag:s20], $0x2000  }
0x78: {  	p0 =	seq.s32 s6, $0x17C00;
	[sflag:s20] =	ssyncset.done $0x0  }
0x79: {  	s19 =	sadd.s32 s5, s10;
	s7 =	simm.s32 @p0 $0x1;
	[sflag:s20] =	ssyncadd.s32 $0xFFFFE000  }
0x7a: {  	[hbm4b:s19+s3] =	stream.linear.scatter [tilespmem:s30], [sflag:$0x2], $0x2000, $0x38;
	[tilespmem:$0x1A400] =	vst v63  }
0x7b: {  	_ =	swait.ge @p0 [sflag:s7], $0x2000  }
0x7c: {  	[sflag:s7] =	ssyncset.done @p0 $0x0  }
0x7d: {  	s19 =	simm.s32 @p0 $0x10400;
	[sflag:s7] =	ssyncadd.s32 @p0 $0xFFFFE000;
	s7 =	simm.s32 @p0 $0x0  }
0x7e: {  	[hbm4b:s8+s7] =	stream.linear.scatter @p0 [tilespmem:s19], [sflag:$0x2], $0x2000, $0x38;
	[tilespmem:$0x1A400] =	vst v63  }
0x7f: {  	s7 =	simm.s32 @!p0 $0x2  }
0x80: {  	_ =	swait.ge @!p0 [sflag:s7], $0x2000  }
0x81: {  	s23 =	simm.s32 @!p0 $0x80;
	s19 =	sshra.s32 @!p0 s6, $0x2;
	[sflag:s7] =	ssyncset.done @!p0 $0x0  }
0x82: {  	s31 =	simm.s32 @!p0 $0x6400;
	s22 =	sadd.s32 @!p0 $0x500, s19;
	[sflag:s7] =	ssyncadd.s32 @!p0 $0xFFFFE000  }
0x83: {  	[tilespmem:s31], [sflag:$0x1] =	stream.indirect.gather @!p0 [hbm4b:s4+s23], $0x40, s22, s23, $0xb8;
	[tilespmem:$0x1A400] =	vst v63  }
0x84: {  	s22 =	simm.s32 @!p0 $0x1  }
0x85: {  	_ =	swait.ge @!p0 [sflag:s22], $0x2000  }
0x86: {  	s1 =	simm.s32 @!p0 $0x10400;
	[sflag:s22] =	ssyncset.done @!p0 $0x0  }
0x87: {  	s31 =	simm.s32 @!p0 $0x0;
	[sflag:s22] =	ssyncadd.s32 @!p0 $0xFFFFE000;
	s22 =	sadd.s32 @!p0 s5, s9  }
0x88: {  	[hbm4b:s22+s31] =	stream.linear.scatter @!p0 [tilespmem:s1], [sflag:$0x2], $0x2000, $0x38;
	[tilespmem:$0x1A400] =	vst v63  }
0x89: {  	_ =	swait.ge @!p0 [sflag:s7], $0x2000  }
0x8a: {  	[sflag:s7] =	ssyncset.done @!p0 $0x0  }
0x8b: {  	s1 =	sadd.s32 @!p0 $0x580, s19;
	s22 =	simm.s32 @!p0 $0x8400;
	[sflag:s7] =	ssyncadd.s32 @!p0 $0xFFFFE000  }
0x8c: {  	[tilespmem:s22], [sflag:$0x1] =	stream.indirect.gather @!p0 [hbm4b:s4+s23], $0x40, s1, s23, $0xb8;
	[tilespmem:$0x1A400] =	vst v63  }
0x8d: {  	_ =	swait.ge [sflag:s20], $0x2000  }
0x8e: {  	[sflag:s20] =	ssyncset.done $0x0  }
0x8f: {  	s22 =	sadd.s32 s5, s18;
	[sflag:s20] =	ssyncadd.s32 $0xFFFFE000  }
0x90: {  	[hbm4b:s22+s3] =	stream.linear.scatter [tilespmem:s2], [sflag:$0x2], $0x2000, $0x38;
	[tilespmem:$0x1A400] =	vst v63  }
0x91: {  	_ =	swait.ge @!p0 [sflag:s7], $0x2000  }
0x92: {  	[sflag:s7] =	ssyncset.done @!p0 $0x0  }
0x93: {  	s1 =	sadd.s32 @!p0 $0x600, s19;
	s22 =	simm.s32 @!p0 $0xA400;
	[sflag:s7] =	ssyncadd.s32 @!p0 $0xFFFFE000  }
0x94: {  	[tilespmem:s22], [sflag:$0x1] =	stream.indirect.gather @!p0 [hbm4b:s4+s23], $0x40, s1, s23, $0xb8;
	[tilespmem:$0x1A400] =	vst v63  }
0x95: {  	_ =	swait.ge [sflag:s20], $0x2000  }
0x96: {  	[sflag:s20] =	ssyncset.done $0x0  }
0x97: {  	s31 =	sadd.s32 s5, s17;
	[sflag:s20] =	ssyncadd.s32 $0xFFFFE000  }
0x98: {  	[hbm4b:s31+s3] =	stream.linear.scatter [tilespmem:s24], [sflag:$0x2], $0x2000, $0x38;
	[tilespmem:$0x1A400] =	vst v63  }
0x99: {  	_ =	swait.ge @!p0 [sflag:s7], $0x2000  }
0x9a: {  	[sflag:s7] =	ssyncset.done @!p0 $0x0  }
0x9b: {  	s1 =	sadd.s32 @!p0 $0x680, s19;
	s22 =	simm.s32 @!p0 $0xC400;
	[sflag:s7] =	ssyncadd.s32 @!p0 $0xFFFFE000  }
0x9c: {  	[tilespmem:s22], [sflag:$0x1] =	stream.indirect.gather @!p0 [hbm4b:s4+s23], $0x40, s1, s23, $0xb8;
	[tilespmem:$0x1A400] =	vst v63  }
0x9d: {  	_ =	swait.ge [sflag:s20], $0x2000  }
0x9e: {  	[sflag:s20] =	ssyncset.done $0x0  }
0x9f: {  	s22 =	sadd.s32 s5, s16;
	[sflag:s20] =	ssyncadd.s32 $0xFFFFE000  }
0xa0: {  	[hbm4b:s22+s3] =	stream.linear.scatter [tilespmem:s29], [sflag:$0x2], $0x2000, $0x38;
	[tilespmem:$0x1A400] =	vst v63  }
0xa1: {  	_ =	swait.ge @!p0 [sflag:s7], $0x2000  }
0xa2: {  	[sflag:s7] =	ssyncset.done @!p0 $0x0  }
0xa3: {  	s1 =	sadd.s32 @!p0 $0x700, s19;
	[sflag:s7] =	ssyncadd.s32 @!p0 $0xFFFFE000;
	s7 =	simm.s32 @!p0 $0xE400  }
0xa4: {  	[tilespmem:s7], [sflag:$0x1] =	stream.indirect.gather @!p0 [hbm4b:s4+s23], $0x40, s1, s23, $0xb8;
	[tilespmem:$0x1A400] =	vst v63  }
0xa5: {  	_ =	swait.ge [sflag:s20], $0x2000  }
0xa6: {  	[sflag:s20] =	ssyncset.done $0x0  }
.Ltmp2:
0xa7: {  	s31 =	sadd.s32 s5, s15;
	[sflag:s20] =	ssyncadd.s32 $0xFFFFE000;
	(pc) =	sbr.rel @p0 .LBB2_4-.Ltmp2, $4  }
0xa8: {  	[hbm4b:s31+s3] =	stream.linear.scatter [tilespmem:s0], [sflag:$0x2], $0x2000, $0x38;
	[tilespmem:$0x1A400] =	vst v63  }
0xa9: {  	_ =	swait.ge [sflag:s26], $0x2000  }
0xaa: {  	[sflag:s26] =	ssyncset.done $0x0  }
0xab: {  	[sflag:s26] =	ssyncadd.s32 $0xFFFFE000  }
.Ltmp3:
0xac: {  	(pc) =	sbr.rel .LBB2_2-.Ltmp3, $4  }
0xad: {  	_ = 	snop  }
0xae: {  	s1 =	sshra.s32 s6, $0x2;
	s7 =	simm.s32 $0x10400  }
0xaf: {  	s6 =	sadd.s32 $0x1400, s6;
	s5 =	sadd.s32 $0x2800, s5;
	s1 =	sadd.s32 $0x780, s1  }
0xb0: {  	[tilespmem:s7], [sflag:$0x1] =	stream.indirect.gather [hbm4b:s4+s21], $0x40, s1, s21, $0xb8;
	[tilespmem:$0x1A400] =	vst v63  }
.LBB2_5:
0xb1: {  	_ =	sfence.sel $0x180000  }
0xb2: {  	[bflag:$0x0] =	sbarrier.arrive $0xFFFF  }
0xb3: {  	_ =	strace $0x90000047  }
0xb4: {  	s0 =	stileid.u32;
	[bflag:$0x2] =	sbarrier.arrive $0xFFFF  }
0xb5: {  	p0 =	sne.s32 s0, $0x0;
	s0 =	rddreg [dreg:$0x2]  }
0xb6: {  	s0 =	sadd.s32 @!p0 $0x100000, s0  }
0xb7: {  	[sflag:s0] =	ssyncadd.tile.s32 @!p0 $0x1;
	_ =	shalt  }
.Lfunc_end2:
_tile_overlayer_lowered:
.L_overlay_start_2:
0xb8: {  	(tag) =	ssettag $0x2  }
0xb9: {  	s0 =	rddreg [dreg:$0x0];
	s2 =	stileid.u32  }
0xba: {  	s1 =	rddreg [dreg:$0x1];
	p0 =	sne.s32 s2, $0x0  }
0xbb: {  	s3 =	rddreg [dreg:$0x2];
	[bflag:$0x3] =	sbarrier.arrive $0xFFFF;
	s2 =	simm.s32 @!p0 $0x1C04  }
0xbc: {  	[timem:s3], [sflag:s2] =	dma.local @!p0 [hbm:s0], s1  }
0xbd: {  	s0 =	simm.s32 @!p0 $0x4  }
0xbe: {  	_ =	swait.ge @!p0 [sflag:s0], s1  }
0xbf: {  	s1 =	ssub.s32 @!p0 $0x0, s1;
	[sflag:s0] =	ssyncset.done @!p0 $0x0  }
0xc0: {  	[sflag:s0] =	ssyncadd.s32 @!p0 s1  }
0xc1: {  	[bflag:$0x3] =	sbarrier.arrive $0xFFFF  }
0xc2: {  	_ =	shalt  }

// kernel: sparse-core-data-format-call.cloned.1.call-start
scs
called_computation_lowered:
.L_overlay_start_0:
0x0: {  	s2 =	sld [smem:$0x3FD9]  }
0x1: {  	s3 =	sld [smem:$0x3FFE];
	_ =	sdelay $0x1  }
0x2: {  	s1 =	srdreg.scid  }
0x3: {  	s0 =	sand.u32 $0x1, s1  }
0x4: {  	s18 =	sshll.u32 s0, $0xA;
	s2 =	sadd.s32 s3, s2  }
0x5: {  	s2 =	sadd.s32 s2, s18  }
0x6: {  	[smem:$0x3FC6] =	sst s2  }
0x7: {  	_ = 	snop  }
0x8: {  	s2 =	sld [smem:$0x3FD0];
	(tm) =	ssettm $0x1  }
0x9: {  	s19 =	sld [smem:$0x3FFB];
	_ =	sdelay $0x3  }
0xa: {  	_ =	strace s19  }
0xb: {  	s3 =	sld [smem:$0x3FFC];
	_ =	sdelay $0x3  }
0xc: {  	_ =	strace s3  }
0xd: {  	s3 =	sld [smem:$0x3FFD];
	_ =	sdelay $0x3  }
0xe: {  	_ =	strace s3  }
0xf: {  	_ =	strace $0x8FFFFFFF  }
0x10: {  	s20 =	sld [smem:$0x3FDB];
	_ =	sdelay $0x1  }
0x11: {  	s4 =	simm.s32 $_scs_section_size  }
0x12: {  	s5 =	simm.s32 $_size__tile_overlayer_lowered;
	s6 =	simm.s32 $_tile_overlayer_lowered  }
0x13: {  	s23 =	simm.s32 $0x1BFF;
	s22 =	sshll.u32 s6, $0x1;
	s3 =	sadd.s32 s4, s20  }
0x14: {  	s7 =	simm.s32 $0x0;
	s21 =	sshll.u32 s5, $0x1;
	s5 =	sadd.s32 s22, s3  }
0x15: {  	[timem:s7], [sflag:s23] =	dma.local [hbm:s5], s21  }
0x16: {  	_ =	swait.ge [sflag:s23], s21  }
0x17: {  	s4 =	ssub.s32 $0x0, s21;
	[sflag:s23] =	ssyncset.done $0x0  }
0x18: {  	[sflag:s23] =	ssyncadd.s32 s4;
	_ =	sdelay $0x1  }
0x19: {  	s24 =	simm.s32 $0x1B8B  }
0x1a: {  	_ =	swait.ge [sflag:s24], $0x1  }
0x1b: {  	[sflag:s24] =	ssyncset.done $0x0  }
0x1c: {  	s26 =	simm.s32 $0x1B8E;
	s25 =	sld [smem:$0x3FFE];
	[sflag:s24] =	ssyncadd.s32 $0xFFFFFFFF  }
0x1d: {  	s27 =	simm.s32 $execute0_lowered;
	[smem:$0x3FD2] =	sst s26  }
0x1e: {  	s5 =	sshll.u32 s27, $0x1;
	_ =	strace $0x80000049;
	[dreg:$0x1] =	wrdreg $0xFFFFFFFF  }
0x1f: {  	s28 =	simm.s32 $_size_execute0_lowered;
	s3 =	sadd.s32 s3, s5;
	[dreg:$0x0] =	wrdreg $0x0  }
0x20: {  	s5 =	sshll.u32 s28, $0x1;
	[dreg:$0x2] =	wrdreg s3  }
0x21: {  	[dreg:$0x3] =	wrdreg s5  }
0x22: {  	[dreg:$0x4] =	wrdreg $0xC0  }
0x23: {  	_ =	task [dreg:s7], $0x5FFFF  }
0x24: {  	[dreg:$0x1] =	wrdreg $0xFFFFFFFF  }
0x25: {  	[dreg:$0x0] =	wrdreg $0x60  }
0x26: {  	[dreg:$0x2] =	wrdreg s25  }
0x27: {  	[dreg:$0x3] =	wrdreg s2  }
0x28: {  	[dreg:$0x4] =	wrdreg $0x9  }
0x29: {  	_ =	task.clear_ibuf [dreg:s7], $0x5FFFF;
	_ =	strace $0x90000049  }
0x2a: {  	s29 =	simm.s32 $0x9;
	_ =	strace $0x8000004B  }
0x2b: {  	_ =	swait.ge [sflag:s29], $0x1  }
0x2c: {  	[sflag:s29] =	ssyncadd.s32 $0xFFFFFFFF  }
0x2d: {  	_ =	strace $0x9000004B  }
0x2e: {  	_ =	sfence  }
0x2f: {  	s30 =	sld [smem:$0x0];
	_ =	sdelay $0x2  }
0x30: {  	s31 =	sshll.u32 s1, $0xD;
	s1 =	sshrl.u32 s1, $0x2  }
0x31: {  	s3 =	sand.u32 $0x4000, s31;
	s1 =	sadd.s32 s1, s30  }
0x32: {  	s0 =	sor.u32 s3, s0;
	s1 =	sshll.u32 s1, $0x11  }
0x33: {  	s0 =	sor.u32 s1, s0  }
0x34: {  	s0 =	sadd.s32 $0x8F2B, s0  }
0x35: {  	[sflag:s0] =	ssyncadd.remote.s32 $0x1  }
0x36: {  	_ =	sfence.sel $0xFFFF  }
0x37: {  	[dreg:$0x0] =	wrdreg $0xFFFFFFFF;
	(pc) =	sbr.abs _section_cstart, $3  }
0x38: {  	[dreg:$0x1] =	wrdreg $0xFFFFFFFF  }
0x39: {  	_ =	task.clear_ibuf [dreg:s7], $0x2FFFF;
	_ =	strace $0x9FFFFFFF  }
0x3a: {  	(tm) =	ssettm $0x7FFFFFFF  }
0x3b: {  	_ =	shalt  }
tec
execute0_lowered:
.L_overlay_start_1:
0x0: {  	(tag) =	ssettag $0x1  }
0x1: {  	s0 =	srdreg.scid  }
0x2: {  	s1 =	sshll.u32 s0, $0x4  }
0x3: {  	s0 =	stileid.u32;
	s1 =	sand.u32 $0x10, s1  }
0x4: {  	s1 =	sor.u32 s0, s1  }
0x5: {  	s6 =	rddreg [dreg:$0x0];
	s4 =	simm.s32 $0x1;
	s2 =	sshll.u32 s1, $0x7  }
0x6: {  	s7 =	simm.s32 $0x2;
	s12 =	simm.s32 $0x0;
	s1 =	ssub.s32 $0x4000, s2  }
0x7: {  	s8 =	simm.s32 $0x20000;
	s13 =	simm.s32 $0x0;
	s3 =	sand.u32 $0xF80, s1  }
0x8: {  	s9 =	simm.s32 $0x0;
	s5 =	sshrl.u32 s1, $0xC;
	p0 =	sne.s32 s3, $0x0  }
.Ltmp0:
0x9: {  	s1 =	rddreg [dreg:$0x2];
	s4 =	simm.s32 @!p0 $0x0;
	(pc) =	sbr.rel .LBB1_1-.Ltmp0, $4  }
0xa: {  	s11 =	simm.s32 $0x0;
	s3 =	rddreg [dreg:$0x1];
	s5 =	sadd.s32 s4, s5  }
0xb: {  	_ =	strace $0x8000004A;
	s4 =	simm.s32 $0x1;
	s5 =	smul.u32 $0x32, s5  }
0xc: {  	s6 =	sadd.s32 $0xA00, s6;
	s10 =	smov.u32 s2;
	[sflag:s4] =	ssyncpa.u1 $0x0  }
0xd: {  	p0 =	por $0x0, $0x0;
	[sflag:s7] =	ssyncpa.u1 $0x0;
	s7 =	sor.u32 $0x1, s5  }
.LBB1_4:
0xe: {  	s16 =	sshll.u32 s13, $0x3;
	s17 =	sand.u32 $0x78, s13  }
0xf: {  	s30 =	sand.u32 $0x1F800, s13;
	s12 =	sshll.u32 s12, $0x11;
	s16 =	sand.u32 $0x3C00, s16  }
0x10: {  	[tilespmem:s15+$0x810 ss:$0x81] =	vst.msk $0xffff, v2;
	s31 =	sand.u32 $0x7, s13;
	s16 =	sor.u32 s17, s16;
	s17 =	sadd.s32 s3, s30  }
0x11: {  	[tilespmem:s15+$0x1020 ss:$0x81] =	vst.msk $0xffff, v0;
	s13 =	sshll.u32 s31, $0x12;
	s12 =	sadd.s32 s12, s17;
	s16 =	sshrl.u32 s16, $0x3  }
0x12: {  	[tilespmem:s15+$0x0 ss:$0x81] =	vst.msk $0xffff, v1;
	s13 =	sor.u32 $0x400, s13;
	s12 =	sadd.s32 s16, s12  }
0x13: {  	[hbm4b:s12+s13] =	stream.strided.scatter [tilespmem:s14], [sflag:$0x2], $0x2000, s8, s13, $0x20;
	[tilespmem:$0x8080] =	vst v63  }
.LBB1_5:
0x14: {  	s14 =	sadd.s32 $0x1, s9  }
0x15: {  	s12 =	sadd.s32 $0x1000, s10;
	s16 =	smov.u32 s10;
	p2 =	sgt.s32 s14, $0x31  }
0x16: {  	s16 =	smov.u32 @p2 s12  }
0x17: {  	s14 =	simm.s32 @p2 $0x0;
	p2 =	sgt.s32 s16, $0x3FFF  }
0x18: {  	s16 =	smov.u32 @p2 s2;
	p2 =	sne.s32 s11, s7  }
.Ltmp1:
0x19: {  	p1 =	slt.u32 s11, $0x2;
	(pc) =	sbr.rel @!p2 .LBB1_6-.Ltmp1, $4  }
0x1a: {  	s15 =	simm.s32 @!p1 $0x2  }
0x1b: {  	s13 =	smov.u32 s10;
	p0 =	por !p0, !p0;
	_ =	swait.ge @!p1 [sflag:s15], $0x2000  }
0x1c: {  	s12 =	smov.u32 s9;
	[sflag:s15] =	ssyncset.done @!p1 $0x0;
	s9 =	smov.u32 s14  }
0x1d: {  	s11 =	sadd.s32 $0x1, s11;
	[sflag:s15] =	ssyncadd.s32 @!p1 $0xFFFFE000;
	s10 =	smov.u32 s16  }
.LBB1_1:
0x1e: {  	p1 =	sge.u32 s11, s5  }
0x1f: {  	s14 =	sand.u32 @!p1 $0x1FFFFFF, s9  }
0x20: {  	s15 =	smulhi.u32 @!p1 $0x4924925, s14;
	_ =	sdelay $0x1  }
0x21: {  	s15 =	smul.u32 @!p1 $0x38, s15  }
0x22: {  	s16 =	sxor.u32 @!p1 $0xFFFFFFFF, s11;
	s17 =	smul.u32 @!p1 $0x380, s10  }
0x23: {  	s31 =	sadd.s32 $0xFFFFFFFF, s11;
	s16 =	sshll.u32 @!p1 s16, $0xD;
	s14 =	ssub.s32 @!p1 s14, s15  }
0x24: {  	s15 =	sand.u32 @!p1 $0x2000, s16;
	s16 =	sadd.s32 @!p1 s6, s17;
	s14 =	sshll.u32 @!p1 s14, $0x4  }
0x25: {  	s17 =	simm.s32 @!p1 $0x1C00;
	s14 =	sadd.s32 @!p1 s14, s16;
	s16 =	simm.s32 @!p1 $0x40  }
0x26: {  	[tilespmem:s15], [sflag:$0x1] =	stream.strided.gather @!p1 [hbm4b:s14+s16], $0x2000, s17, s16, $0x38;
	[tilespmem:$0x8080] =	vst v63  }
0x27: {  	p1 =	sge.u32 s31, s5  }
.Ltmp2:
0x28: {  	_ = 	snop;
	(pc) =	sbr.rel @p1 .LBB1_5-.Ltmp2, $1  }
0x29: {  	_ =	sdelay $0x3  }
0x2a: {  	s14 =	simm.s32 $0x1  }
0x2b: {  	_ =	swait.ge [sflag:s4], $0x2000;
	s14 =	simm.s32 @!p0 $0x0  }
0x2c: {  	[sflag:s4] =	ssyncset.done $0x0;
	s15 =	sshll.u32 s14, $0xD  }
0x2d: {  	[sflag:s4] =	ssyncadd.s32 $0xFFFFE000;
	s18 =	sor.u32 $0x20, s15  }
0x2e: {  	s14 =	smul.u32 $0x8100, s14;
	v3 =	vld [tilespmem:s18+$0x10]  }
0x2f: {  	s30 =	sand.u32 $0x1, s11;
	v2 =	vld [tilespmem:s18+$0xFFFFFFF0]  }
0x30: {  	s15 =	smul.u32 $0x8100, s30;
	s14 =	sshrl.u32 s14, $0x2;
	v0 =	vld [tilespmem:s18+$0x0]  }
0x31: {  	v1 =	vld [tilespmem:s18+$0xFFFFFFE0];
	s16 =	sor.u32 $0x4000, s14  }
0x32: {  	s31 =	sshrl.u32 s15, $0x2;
	s15 =	sadd.s32 $0x0, s16  }
0x33: {  	s17 =	simm.s32 $0x4;
	s18 =	sadd.s32 $0x40, s18;
	s14 =	sor.u32 $0x4000, s31;
	[tilespmem:s15+$0x1830 ss:$0x81] =	vst.msk $0xffff, v3  }
.LBB1_3:
0x34: {  	v3 =	vld [tilespmem:s18+$0x10];
	p1 =	sne.s32 s17, $0x1FC;
	[tilespmem:s15+$0x810 ss:$0x81] =	vst.msk $0xffff, v2;
	s19 =	smov.u32 s17;
	s17 =	sadd.s32 $0x4, s17  }
.Ltmp3:
0x35: {  	v2 =	vld [tilespmem:s18+$0xFFFFFFF0];
	[tilespmem:s15+$0x1020 ss:$0x81] =	vst.msk $0xffff, v0;
	(pc) =	sbr.rel @p1 .LBB1_3-.Ltmp3, $4  }
0x36: {  	v0 =	vld [tilespmem:s18+$0x0];
	[tilespmem:s15+$0x0 ss:$0x81] =	vst.msk $0xffff, v1  }
0x37: {  	s15 =	sshra.s32 s19, $0x2;
	v1 =	vld [tilespmem:s18+$0xFFFFFFE0]  }
0x38: {  	s15 =	sadd.s32 s15, s16  }
0x39: {  	s18 =	sadd.s32 $0x40, s18;
	[tilespmem:s15+$0x1830 ss:$0x81] =	vst.msk $0xffff, v3  }
.Ltmp4:
0x3a: {  	_ = 	snop;
	(pc) =	sbr.rel .LBB1_4-.Ltmp4, $1  }
0x3b: {  	_ =	sdelay $0x3  }
.LBB1_6:
0x3c: {  	_ =	sfence.sel $0x180000  }
0x3d: {  	s2 =	simm.s32 $0x1;
	[bflag:$0x0] =	sbarrier.arrive $0xFFFF  }
0x3e: {  	s31 =	simm.s32 $0x2;
	[sflag:s2] =	ssyncpa.u1 $0x1  }
0x3f: {  	[sflag:s31] =	ssyncpa.u1 $0x1  }
0x40: {  	p0 =	sne.s32 s0, $0x0;
	_ =	strace $0x9000004A  }
0x41: {  	s0 =	sadd.s32 @!p0 $0x100000, s1;
	[bflag:$0x2] =	sbarrier.arrive $0xFFFF  }
0x42: {  	[sflag:s0] =	ssyncadd.tile.s32 @!p0 $0x1;
	_ =	shalt  }
.Lfunc_end1:
_tile_overlayer_lowered:
.L_overlay_start_2:
0x43: {  	(tag) =	ssettag $0x2  }
0x44: {  	s0 =	rddreg [dreg:$0x0];
	s2 =	stileid.u32  }
0x45: {  	s1 =	rddreg [dreg:$0x1];
	p0 =	sne.s32 s2, $0x0  }
0x46: {  	s3 =	rddreg [dreg:$0x2];
	[bflag:$0x3] =	sbarrier.arrive $0xFFFF;
	s2 =	simm.s32 @!p0 $0x1C01  }
0x47: {  	[timem:s3], [sflag:s2] =	dma.local @!p0 [hbm:s0], s1  }
0x48: {  	s0 =	simm.s32 @!p0 $0x1  }
0x49: {  	_ =	swait.ge @!p0 [sflag:s0], s1  }
0x4a: {  	s1 =	ssub.s32 @!p0 $0x0, s1;
	[sflag:s0] =	ssyncset.done @!p0 $0x0  }
0x4b: {  	[sflag:s0] =	ssyncadd.s32 @!p0 s1  }
0x4c: {  	[bflag:$0x3] =	sbarrier.arrive $0xFFFF  }
0x4d: {  	_ =	shalt  }

</sc_bundles>
